<compile_context>
chip_gen: v7x
topology: tpu7x:2x2x1
jax: 0.10.2.dev20260603
libtpu: 0.0.44.dev20260713+nightly
codegen_flags: <defaults>
</compile_context>

<pallas_src>
import functools

import jax
import jax.numpy as jnp
from jax import lax
from jax.experimental import pallas as pl
from jax.experimental.pallas import tpu as pltpu
from jax.experimental.pallas import tpu_sc as plsc

NC = 2
NS = 16
NW = NC * NS
LANES = 16

_mesh = lambda: plsc.VectorSubcoreMesh(
    core_axis_name="c", subcore_axis_name="s", num_cores=NC, num_subcores=NS)


def _sc_hist(rowp, colp, npad, zero_idx):
    e_pad = rowp.shape[0]
    ept = e_pad // NW

    @functools.partial(
        pl.kernel,
        mesh=_mesh(),
        out_type=jax.ShapeDtypeStruct((NW, npad), jnp.float32),
        scratch_types=[
            pltpu.VMEM((ept,), jnp.int32),
            pltpu.VMEM((ept,), jnp.int32),
            pltpu.VMEM((npad,), jnp.float32),
        ],
        compiler_params=pltpu.CompilerParams(needs_layout_passes=False),
    )
    def k(rowp_hbm, colp_hbm, out_hbm, rbuf, cbuf, hist_v):
        cid = lax.axis_index("c")
        sid = lax.axis_index("s")
        wid = cid * NS + sid
        base = wid * ept
        pltpu.sync_copy(rowp_hbm.at[pl.ds(base, ept)], rbuf)
        pltpu.sync_copy(colp_hbm.at[pl.ds(base, ept)], cbuf)

        def zero(i, _):
            hist_v[pl.ds(i * LANES, LANES)] = jnp.zeros((LANES,), jnp.float32)
            return 0
        lax.fori_loop(0, npad // LANES, zero, 0)

        def acc(i, _):
            r = rbuf[pl.ds(i * LANES, LANES)]
            c = cbuf[pl.ds(i * LANES, LANES)]
            val = jnp.where(r != zero_idx, 1.0, 0.0).astype(jnp.float32)
            plsc.addupdate_scatter(hist_v, [c], val)
            return 0
        lax.fori_loop(0, ept // LANES, acc, 0)
        pltpu.sync_copy(hist_v, out_hbm.at[wid])

    return k(rowp, colp)


def _sc_agg(table, rowp3, colp3, npad, npad_out):
    e_pad = rowp3.shape[0] * rowp3.shape[1] * rowp3.shape[2]
    rowp = rowp3.reshape(e_pad)
    colp = colp3.reshape(e_pad)
    ept = e_pad // NW
    nb = ept // 128
    rows_per_tile = npad // NS

    @functools.partial(
        pl.kernel,
        mesh=_mesh(),
        out_type=jax.ShapeDtypeStruct((NC, npad_out, 128), jnp.float32),
        scratch_types=[
            pltpu.VMEM((128,), jnp.int32),
            pltpu.VMEM((128,), jnp.int32),
            pltpu.VMEM((128, 128), jnp.float32),
            pltpu.VMEM((64, 128), jnp.float32),
            pltpu.SemaphoreType.DMA,
            pltpu.VMEM_SHARED((npad, 128), jnp.float32),
        ],
        compiler_params=pltpu.CompilerParams(needs_layout_passes=False),
    )
    def k(table_hbm, rowp_hbm, colp_hbm, out_hbm, rbuf, cbuf, rows_v, zbuf,
          sem, acc):
        cid = lax.axis_index("c")
        sid = lax.axis_index("s")
        wid = cid * NS + sid

        def zfill(i, _):
            zbuf[i // 8, pl.ds((i % 8) * LANES, LANES)] = (
                jnp.zeros((LANES,), jnp.float32))
            return 0
        lax.fori_loop(0, 64 * 8, zfill, 0)

        def zacc(i, _):
            pltpu.sync_copy(zbuf, acc.at[pl.ds(sid * rows_per_tile + i * 64, 64)])
            return 0
        lax.fori_loop(0, rows_per_tile // 64, zacc, 0)
        plsc.subcore_barrier()

        def body(b, _):
            base = wid * ept + b * 128
            pltpu.sync_copy(rowp_hbm.at[pl.ds(base, 128)], rbuf)
            pltpu.sync_copy(colp_hbm.at[pl.ds(base, 128)], cbuf)
            pltpu.async_copy(table_hbm.at[rbuf], rows_v, sem).wait()
            pltpu.sync_copy(rows_v, acc.at[cbuf], add=True)
            return 0
        lax.fori_loop(0, nb, body, 0)
        plsc.subcore_barrier()
        pltpu.sync_copy(
            acc.at[pl.ds(sid * rows_per_tile, rows_per_tile)],
            out_hbm.at[cid, pl.ds(sid * rows_per_tile, rows_per_tile)])

    return k(table, rowp, colp)


def _tc_prep(x_pad, histp, npad):
    blk = 256
    grid = npad // blk

    def body(x_ref, h_ref, t1_ref, disb_ref):
        deg = jnp.sum(h_ref[...], axis=0) + 1.0
        dis = lax.rsqrt(deg)[:, None]
        t1_ref[...] = x_ref[...] * dis
        disb_ref[...] = jnp.broadcast_to(dis, (blk, 128))

    return pl.pallas_call(
        body,
        grid=(grid,),
        in_specs=[
            pl.BlockSpec((blk, 128), lambda i: (i, 0)),
            pl.BlockSpec((NW, blk), lambda i: (0, i)),
        ],
        out_specs=[
            pl.BlockSpec((blk, 128), lambda i: (i, 0)),
            pl.BlockSpec((blk, 128), lambda i: (i, 0)),
        ],
        out_shape=[
            jax.ShapeDtypeStruct((npad, 128), jnp.float32),
            jax.ShapeDtypeStruct((npad, 128), jnp.float32),
        ],
    )(x_pad, histp)


def _tc_mid(s1p, t1, disb, W1, W2, npad):
    blk = 256
    grid = npad // blk

    def body(s_ref, t1_ref, d_ref, w1_ref, w2_ref, t2_ref):
        s = s_ref[0] + s_ref[1]
        ax = d_ref[...] * (s + t1_ref[...])
        h = jnp.maximum(
            jnp.dot(ax, w1_ref[...], preferred_element_type=jnp.float32), 0.0)
        g = jnp.dot(h, w2_ref[...], preferred_element_type=jnp.float32)
        t2_ref[...] = d_ref[...] * g

    return pl.pallas_call(
        body,
        grid=(grid,),
        in_specs=[
            pl.BlockSpec((NC, blk, 128), lambda i: (0, i, 0)),
            pl.BlockSpec((blk, 128), lambda i: (i, 0)),
            pl.BlockSpec((blk, 128), lambda i: (i, 0)),
            pl.BlockSpec((128, 256), lambda i: (0, 0)),
            pl.BlockSpec((256, 128), lambda i: (0, 0)),
        ],
        out_specs=pl.BlockSpec((blk, 128), lambda i: (i, 0)),
        out_shape=jax.ShapeDtypeStruct((npad, 128), jnp.float32),
    )(s1p, t1, disb, W1, W2)


def _tc_out(s2p, t2, disb, npad):
    blk = 256
    grid = npad // blk

    def body(s_ref, t2_ref, d_ref, o_ref):
        s = s_ref[0] + s_ref[1]
        o = d_ref[...] * (s + t2_ref[...])
        m = jnp.max(o, axis=1, keepdims=True)
        lse = m + jnp.log(jnp.sum(jnp.exp(o - m), axis=1, keepdims=True))
        o_ref[...] = o - lse

    return pl.pallas_call(
        body,
        grid=(grid,),
        in_specs=[
            pl.BlockSpec((NC, blk, 128), lambda i: (0, i, 0)),
            pl.BlockSpec((blk, 128), lambda i: (i, 0)),
            pl.BlockSpec((blk, 128), lambda i: (i, 0)),
        ],
        out_specs=pl.BlockSpec((blk, 128), lambda i: (i, 0)),
        out_shape=jax.ShapeDtypeStruct((npad, 128), jnp.float32),
    )(s2p, t2, disb)


def kernel(x, edge_index, W1, W2):
    N, d_in = x.shape
    E = edge_index.shape[1]
    npad = (N + 1 + 1023) // 1024 * 1024
    npad_sc = npad
    e_pad = (E + NW * 128 - 1) // (NW * 128) * (NW * 128)

    row, col = edge_index[0], edge_index[1]
    rowp = jnp.where(row == col, N, row)
    rowp = jnp.concatenate([rowp, jnp.full((e_pad - E,), N, jnp.int32)])
    colp = jnp.concatenate([col, jnp.full((e_pad - E,), N, jnp.int32)])
    x_pad = jnp.pad(x, ((0, npad - N), (0, 0)))
    nb = e_pad // NW // 128
    rowp3 = rowp.reshape(NW, nb, 128)
    colp3 = colp.reshape(NW, nb, 128)

    histp = _sc_hist(rowp, colp, npad, N)
    t1, disb = _tc_prep(x_pad, histp, npad)
    s1p = _sc_agg(t1, rowp3, colp3, npad_sc, npad)
    t2 = _tc_mid(s1p, t1, disb, W1, W2, npad)
    s2p = _sc_agg(t2, rowp3, colp3, npad_sc, npad)
    out = _tc_out(s2p, t2, disb, npad)
    return out[:N]

# --- scband reference (transcript-rebuilt; emitter-appended) ---
"""Pipeline reference for scband-two-layer-57775900065799 (READ-ONLY COPY).

The authoritative reference and input builder live on the scoring server;
editing this copy changes nothing except your own understanding.
"""

import jax, jax.numpy as jnp
import numpy as np
import math


def gcn_conv(x, edge_index, W):
    # Faithful NaiveGCNConv: remove self-loops via zero-weighting (math-identical
    # to filtering), append fresh self-loops, symmetric normalization, aggregate.
    N = x.shape[0]
    row, col = edge_index[0], edge_index[1]
    keep = (row != col).astype(x.dtype)
    loop = jnp.arange(N, dtype=edge_index.dtype)
    row_f = jnp.concatenate([row, loop])
    col_f = jnp.concatenate([col, loop])
    edge_weight = jnp.concatenate([keep, jnp.ones((N,), dtype=x.dtype)])
    deg = jax.ops.segment_sum(edge_weight, col_f, num_segments=N)
    deg_inv_sqrt = jnp.power(deg, -0.5)
    deg_inv_sqrt = jnp.where(jnp.isinf(deg_inv_sqrt), 0.0, deg_inv_sqrt)
    edge_weight = deg_inv_sqrt[row_f] * edge_weight * deg_inv_sqrt[col_f]
    xw = x @ W
    # message: x_j = xw[row] (source), scatter-add to col (destination)
    msg = edge_weight[:, None] * jnp.take(xw, row_f, axis=0)
    return jax.ops.segment_sum(msg, col_f, num_segments=N)


def setup_inputs(seed: int = 0) -> dict:
    key = jax.random.key(seed)
    k1, k2, k3, k4 = jax.random.split(key, 4)
    N, E, D_in, D_hid, D_out = 10000, 320000, 128, 256, 128
    x = jax.random.normal(k1, (N, D_in), dtype=jnp.float32)
    edge_index = jax.random.randint(k2, (2, E), 0, N, dtype=jnp.int32)
    stdv1 = math.sqrt(1.0 / D_hid)
    stdv2 = math.sqrt(1.0 / D_out)
    W1 = jax.random.uniform(k3, (D_in, D_hid), dtype=jnp.float32, minval=-stdv1, maxval=stdv1)
    W2 = jax.random.uniform(k4, (D_hid, D_out), dtype=jnp.float32, minval=-stdv2, maxval=stdv2)
    return {"x": x, "edge_index": edge_index, "W1": W1, "W2": W2}


def reference(x, edge_index, W1, W2):
    h = gcn_conv(x, edge_index, W1)
    h = jax.nn.relu(h)
    # dropout is identity in eval mode
    out = gcn_conv(h, edge_index, W2)
    return jax.nn.log_softmax(out, axis=1)

if __name__ == "__main__":
    import jax
    _d = setup_inputs()
    print(jax.jit(kernel)(*tuple(_d.values())))

</pallas_src>

<mosaic_0001>
#map = affine_map<(d0, d1) -> (0, 0)>
#map1 = affine_map<(d0, d1) -> (0)>
#map2 = affine_map<(d0, d1) -> (0, 0, 0)>
module attributes {stable_mosaic.version = 14 : i64} {
  func.func @k(%arg0: i32, %arg1: i32, %arg2: memref<10240x128xf32, #tpu.memory_space<hbm>>, %arg3: memref<323584xi32, #tpu.memory_space<hbm>>, %arg4: memref<323584xi32, #tpu.memory_space<hbm>>, %arg5: memref<2x10240x128xf32, #tpu.memory_space<hbm>>, %arg6: memref<128xi32, #tpu.memory_space<vmem>>, %arg7: memref<128xi32, #tpu.memory_space<vmem>>, %arg8: memref<128x128xf32, #tpu.memory_space<vmem>>, %arg9: memref<64x128xf32, #tpu.memory_space<vmem>>, %arg10: memref<!tpu.dma_semaphore, #tpu.memory_space<semaphore_mem>>, %arg11: memref<10240x128xf32, #tpu.memory_space<vmem_shared>>) attributes {dimension_semantics = [#tpu.dimension_semantics<core_parallel>, #tpu.dimension_semantics<subcore_parallel>], iteration_bounds = array<i64: 2, 16>, scalar_prefetch = 0 : i64, scratch_operands = 6 : i64, tpu.core_type = #tpu.core_type<sc_vector_subcore>, window_params = [{transform_indices = #map}, {transform_indices = #map1}, {transform_indices = #map1}, {transform_indices = #map2}]} {
    %mul3A = arith.constant 16 : i32
    %mul3A_0 = arith.muli %arg0, %mul3A : i32
    %add3A = arith.addi %mul3A_0, %arg1 : i32
    %scan3A = arith.constant 0 : i32
    %scan3A_1 = arith.constant 0 : i32
    %scan3A_2 = arith.constant 512 : i32
    %scan3A_3 = arith.addi %scan3A_1, %scan3A_2 : i32
    %scan3A_4 = arith.constant 1 : i32
    %scan3A_5 = scf.for %scan3A_26 = %scan3A_1 to %scan3A_3 step %scan3A_4 iter_args(%scan3A_27 = %scan3A) -> (i32)  : i32 {
      %broadcast_in_dim3A = arith.constant 0.000000e+00 : f32
      %broadcast_in_dim3A_28 = vector.broadcast %broadcast_in_dim3A : f32 to vector<16xf32>
      %jit3A = arith.constant 8 : i32
      %div3A = arith.divsi %scan3A_26, %jit3A : i32
      %sign3A = arith.constant 0 : i32
      %sign3A_29 = arith.cmpi sgt, %scan3A_26, %sign3A : i32
      %sign3A_30 = arith.extui %sign3A_29 : i1 to i32
      %sign3A_31 = arith.constant 0 : i32
      %sign3A_32 = arith.cmpi slt, %scan3A_26, %sign3A_31 : i32
      %sign3A_33 = arith.extui %sign3A_32 : i1 to i32
      %sign3A_34 = arith.subi %sign3A_30, %sign3A_33 : i32
      %sign3A_35 = arith.constant 0 : i32
      %sign3A_36 = arith.cmpi sgt, %jit3A, %sign3A_35 : i32
      %sign3A_37 = arith.extui %sign3A_36 : i1 to i32
      %sign3A_38 = arith.constant 0 : i32
      %sign3A_39 = arith.cmpi slt, %jit3A, %sign3A_38 : i32
      %sign3A_40 = arith.extui %sign3A_39 : i1 to i32
      %sign3A_41 = arith.subi %sign3A_37, %sign3A_40 : i32
      %ne3A = arith.cmpi ne, %sign3A_34, %sign3A_41 : i32
      %rem3A = arith.remsi %scan3A_26, %jit3A : i32
      %ne3A_42 = arith.constant 0 : i32
      %ne3A_43 = arith.cmpi ne, %rem3A, %ne3A_42 : i32
      %and3A = arith.andi %ne3A, %ne3A_43 : i1
      %sub3A = arith.constant 1 : i32
      %sub3A_44 = arith.subi %div3A, %sub3A : i32
      %select_n3A = arith.select %and3A, %sub3A_44, %div3A : i32
      %jit3A_45 = arith.constant 8 : i32
      %eq3A = arith.constant 0 : i32
      %eq3A_46 = arith.cmpi eq, %jit3A_45, %eq3A : i32
      %jit3A_47 = arith.constant 1 : i32
      %select_n3A_48 = arith.select %eq3A_46, %jit3A_47, %jit3A_45 : i32
      %rem3A_49 = arith.remsi %scan3A_26, %select_n3A_48 : i32
      %ne3A_50 = arith.constant 0 : i32
      %ne3A_51 = arith.cmpi ne, %rem3A_49, %ne3A_50 : i32
      %lt3A = arith.constant 0 : i32
      %lt3A_52 = arith.cmpi slt, %rem3A_49, %lt3A : i32
      %lt3A_53 = arith.constant 0 : i32
      %lt3A_54 = arith.cmpi slt, %select_n3A_48, %lt3A_53 : i32
      %ne3A_55 = arith.xori %lt3A_52, %lt3A_54 : i1
      %and3A_56 = arith.andi %ne3A_55, %ne3A_51 : i1
      %add3A_57 = arith.addi %rem3A_49, %select_n3A_48 : i32
      %select_n3A_58 = arith.select %and3A_56, %add3A_57, %rem3A_49 : i32
      %mul3A_59 = arith.constant 16 : i32
      %mul3A_60 = arith.muli %select_n3A_58, %mul3A_59 : i32
      %swap3A = arith.index_cast %select_n3A : i32 to index
      %swap3A_61 = arith.index_cast %mul3A_60 : i32 to index
      %swap3A_62 = tpu.vector_load %arg9[%swap3A, %swap3A_61] {strides = array<i32>} : memref<64x128xf32, #tpu.memory_space<vmem>>, vector<16xf32>,
      tpu.vector_store %arg9[%swap3A, %swap3A_61], %broadcast_in_dim3A_28 {strides = array<i32>} : memref<64x128xf32, #tpu.memory_space<vmem>>, vector<16xf32>,
      %scan3A_63 = arith.constant 0 : i32
      scf.yield %scan3A_63 : i32
    }
    %scan3A_6 = arith.constant 512 : i32
    %scan3A_7 = arith.constant 0 : i32
    %scan3A_8 = arith.constant 0 : i32
    %scan3A_9 = arith.constant 10 : i32
    %scan3A_10 = arith.addi %scan3A_8, %scan3A_9 : i32
    %scan3A_11 = arith.constant 1 : i32
    %scan3A_12 = scf.for %scan3A_26 = %scan3A_8 to %scan3A_10 step %scan3A_11 iter_args(%scan3A_27 = %scan3A_7) -> (i32)  : i32 {
      %mul3A_28 = arith.constant 640 : i32
      %mul3A_29 = arith.muli %arg1, %mul3A_28 : i32
      %mul3A_30 = arith.constant 64 : i32
      %mul3A_31 = arith.muli %scan3A_26, %mul3A_30 : i32
      %add3A_32 = arith.addi %mul3A_29, %mul3A_31 : i32
      "tpu.region"() ({
        %run_scoped3A = tpu.sem_alloc : memref<!tpu.dma_semaphore, #tpu.memory_space<semaphore_mem>>
        %dma_start3A = arith.constant 0 : i32
        %dma_start3A_34 = tpu.memref_slice %arg11[%add3A_32, %dma_start3A] : memref<10240x128xf32, #tpu.memory_space<vmem_shared>> -> memref<64x128xf32, #tpu.memory_space<vmem_shared>>
        %dma_start3A_35 = arith.constant 0 : i32
        %dma_start3A_36 = tpu.memref_slice %arg11[%add3A_32, %dma_start3A_35] : memref<10240x128xf32, #tpu.memory_space<vmem_shared>> -> memref<64x128xf32, #tpu.memory_space<vmem_shared>>
        tpu.enqueue_dma source(%arg9 : memref<64x128xf32, #tpu.memory_space<vmem>>) target(%dma_start3A_36 : memref<64x128xf32, #tpu.memory_space<vmem_shared>>) target_semaphore(%run_scoped3A : memref<!tpu.dma_semaphore, #tpu.memory_space<semaphore_mem>>)
        %dma_wait3A = arith.constant 0 : i32
        %dma_wait3A_37 = tpu.memref_slice %arg11[%add3A_32, %dma_wait3A] : memref<10240x128xf32, #tpu.memory_space<vmem_shared>> -> memref<64x128xf32, #tpu.memory_space<vmem_shared>>
        %dma_wait3A_38 = arith.constant 0 : i32
        %dma_wait3A_39 = tpu.memref_slice %arg11[%add3A_32, %dma_wait3A_38] : memref<10240x128xf32, #tpu.memory_space<vmem_shared>> -> memref<64x128xf32, #tpu.memory_space<vmem_shared>>
        tpu.wait_dma2 semaphore(%run_scoped3A : memref<!tpu.dma_semaphore, #tpu.memory_space<semaphore_mem>>) src(%arg9 : memref<64x128xf32, #tpu.memory_space<vmem>>) dst(%dma_wait3A_39 : memref<64x128xf32, #tpu.memory_space<vmem_shared>>)
        tpu.yield
      }) : () -> ()
      %scan3A_33 = arith.constant 0 : i32
      scf.yield %scan3A_33 : i32
    }
    %scan3A_13 = arith.constant 10 : i32
    %barrier3A = arith.constant 0 : index
    tpu.barrier barrier_id(%barrier3A)
    %scan3A_14 = arith.constant 0 : i32
    %scan3A_15 = arith.constant 0 : i32
    %scan3A_16 = arith.constant 79 : i32
    %scan3A_17 = arith.addi %scan3A_15, %scan3A_16 : i32
    %scan3A_18 = arith.constant 1 : i32
    %scan3A_19 = scf.for %scan3A_26 = %scan3A_15 to %scan3A_17 step %scan3A_18 iter_args(%scan3A_27 = %scan3A_14) -> (i32)  : i32 {
      %mul3A_28 = arith.constant 10112 : i32
      %mul3A_29 = arith.muli %add3A, %mul3A_28 : i32
      %mul3A_30 = arith.constant 128 : i32
      %mul3A_31 = arith.muli %scan3A_26, %mul3A_30 : i32
      %add3A_32 = arith.addi %mul3A_29, %mul3A_31 : i32
      "tpu.region"() ({
        %run_scoped3A = tpu.sem_alloc : memref<!tpu.dma_semaphore, #tpu.memory_space<semaphore_mem>>
        %dma_start3A_38 = tpu.memref_slice %arg3[%add3A_32] : memref<323584xi32, #tpu.memory_space<hbm>> -> memref<128xi32, #tpu.memory_space<hbm>>
        %dma_start3A_39 = tpu.memref_slice %arg3[%add3A_32] : memref<323584xi32, #tpu.memory_space<hbm>> -> memref<128xi32, #tpu.memory_space<hbm>>
        tpu.enqueue_dma source(%dma_start3A_39 : memref<128xi32, #tpu.memory_space<hbm>>) target(%arg6 : memref<128xi32, #tpu.memory_space<vmem>>) target_semaphore(%run_scoped3A : memref<!tpu.dma_semaphore, #tpu.memory_space<semaphore_mem>>)
        %dma_wait3A_40 = tpu.memref_slice %arg3[%add3A_32] : memref<323584xi32, #tpu.memory_space<hbm>> -> memref<128xi32, #tpu.memory_space<hbm>>
        %dma_wait3A_41 = tpu.memref_slice %arg3[%add3A_32] : memref<323584xi32, #tpu.memory_space<hbm>> -> memref<128xi32, #tpu.memory_space<hbm>>
        tpu.wait_dma2 semaphore(%run_scoped3A : memref<!tpu.dma_semaphore, #tpu.memory_space<semaphore_mem>>) src(%dma_wait3A_41 : memref<128xi32, #tpu.memory_space<hbm>>) dst(%arg6 : memref<128xi32, #tpu.memory_space<vmem>>)
        tpu.yield
      }) : () -> ()
      "tpu.region"() ({
        %run_scoped3A = tpu.sem_alloc : memref<!tpu.dma_semaphore, #tpu.memory_space<semaphore_mem>>
        %dma_start3A_38 = tpu.memref_slice %arg4[%add3A_32] : memref<323584xi32, #tpu.memory_space<hbm>> -> memref<128xi32, #tpu.memory_space<hbm>>
        %dma_start3A_39 = tpu.memref_slice %arg4[%add3A_32] : memref<323584xi32, #tpu.memory_space<hbm>> -> memref<128xi32, #tpu.memory_space<hbm>>
        tpu.enqueue_dma source(%dma_start3A_39 : memref<128xi32, #tpu.memory_space<hbm>>) target(%arg7 : memref<128xi32, #tpu.memory_space<vmem>>) target_semaphore(%run_scoped3A : memref<!tpu.dma_semaphore, #tpu.memory_space<semaphore_mem>>)
        %dma_wait3A_40 = tpu.memref_slice %arg4[%add3A_32] : memref<323584xi32, #tpu.memory_space<hbm>> -> memref<128xi32, #tpu.memory_space<hbm>>
        %dma_wait3A_41 = tpu.memref_slice %arg4[%add3A_32] : memref<323584xi32, #tpu.memory_space<hbm>> -> memref<128xi32, #tpu.memory_space<hbm>>
        tpu.wait_dma2 semaphore(%run_scoped3A : memref<!tpu.dma_semaphore, #tpu.memory_space<semaphore_mem>>) src(%dma_wait3A_41 : memref<128xi32, #tpu.memory_space<hbm>>) dst(%arg7 : memref<128xi32, #tpu.memory_space<vmem>>)
        tpu.yield
      }) : () -> ()
      %dma_start3A = arith.constant 0 : i32
      %dma_start3A_33 = arith.constant 0 : i32
      %dma_start3A_34 = tpu.memref_slice %arg2[%dma_start3A, %dma_start3A_33] : memref<10240x128xf32, #tpu.memory_space<hbm>> -> memref<10240x128xf32, #tpu.memory_space<hbm>>
      tpu.enqueue_indirect_dma source(%dma_start3A_34 : memref<10240x128xf32, #tpu.memory_space<hbm>>) target(%arg8 : memref<128x128xf32, #tpu.memory_space<vmem>>) offsets(%arg6 : memref<128xi32, #tpu.memory_space<vmem>>) semaphore(%arg10 : memref<!tpu.dma_semaphore, #tpu.memory_space<semaphore_mem>>)
      %dma_wait3A = arith.constant 0 : i32
      %dma_wait3A_35 = arith.constant 0 : i32
      %dma_wait3A_36 = tpu.memref_slice %arg2[%dma_wait3A, %dma_wait3A_35] : memref<10240x128xf32, #tpu.memory_space<hbm>> -> memref<10240x128xf32, #tpu.memory_space<hbm>>
      tpu.wait_indirect_dma semaphore(%arg10 : memref<!tpu.dma_semaphore, #tpu.memory_space<semaphore_mem>>) src(%dma_wait3A_36 : memref<10240x128xf32, #tpu.memory_space<hbm>>) dst(%arg8 : memref<128x128xf32, #tpu.memory_space<vmem>>)
      "tpu.region"() ({
        %run_scoped3A = tpu.sem_alloc : memref<!tpu.dma_semaphore, #tpu.memory_space<semaphore_mem>>
        %dma_start3A_38 = arith.constant 0 : i32
        %dma_start3A_39 = arith.constant 0 : i32
        %dma_start3A_40 = tpu.memref_slice %arg11[%dma_start3A_38, %dma_start3A_39] : memref<10240x128xf32, #tpu.memory_space<vmem_shared>> -> memref<10240x128xf32, #tpu.memory_space<vmem_shared>>
        tpu.enqueue_indirect_dma source(%arg8 : memref<128x128xf32, #tpu.memory_space<vmem>>) target(%dma_start3A_40 : memref<10240x128xf32, #tpu.memory_space<vmem_shared>>) offsets(%arg7 : memref<128xi32, #tpu.memory_space<vmem>>) semaphore(%run_scoped3A : memref<!tpu.dma_semaphore, #tpu.memory_space<semaphore_mem>>) {add = true}
        %dma_wait3A_41 = arith.constant 0 : i32
        %dma_wait3A_42 = arith.constant 0 : i32
        %dma_wait3A_43 = tpu.memref_slice %arg11[%dma_wait3A_41, %dma_wait3A_42] : memref<10240x128xf32, #tpu.memory_space<vmem_shared>> -> memref<10240x128xf32, #tpu.memory_space<vmem_shared>>
        tpu.wait_indirect_dma semaphore(%run_scoped3A : memref<!tpu.dma_semaphore, #tpu.memory_space<semaphore_mem>>) src(%arg8 : memref<128x128xf32, #tpu.memory_space<vmem>>) dst(%dma_wait3A_43 : memref<10240x128xf32, #tpu.memory_space<vmem_shared>>)
        tpu.yield
      }) : () -> ()
      %scan3A_37 = arith.constant 0 : i32
      scf.yield %scan3A_37 : i32
    }
    %scan3A_20 = arith.constant 79 : i32
    %barrier3A_21 = arith.constant 0 : index
    tpu.barrier barrier_id(%barrier3A_21)
    %mul3A_22 = arith.constant 640 : i32
    %mul3A_23 = arith.muli %arg1, %mul3A_22 : i32
    %mul3A_24 = arith.constant 640 : i32
    %mul3A_25 = arith.muli %arg1, %mul3A_24 : i32
    "tpu.region"() ({
      %run_scoped3A = tpu.sem_alloc : memref<!tpu.dma_semaphore, #tpu.memory_space<semaphore_mem>>
      %dma_start3A = arith.constant 0 : i32
      %dma_start3A_26 = tpu.memref_slice %arg5[%arg0, %mul3A_25, %dma_start3A] : memref<2x10240x128xf32, #tpu.memory_space<hbm>> -> memref<1x640x128xf32, #tpu.memory_space<hbm>>
      %dma_start3A_27 = tpu.memref_squeeze %dma_start3A_26 : memref<1x640x128xf32, #tpu.memory_space<hbm>> -> memref<640x128xf32, #tpu.memory_space<hbm>>
      %dma_start3A_28 = arith.constant 0 : i32
      %dma_start3A_29 = tpu.memref_slice %arg11[%mul3A_23, %dma_start3A_28] : memref<10240x128xf32, #tpu.memory_space<vmem_shared>> -> memref<640x128xf32, #tpu.memory_space<vmem_shared>>
      tpu.enqueue_dma source(%dma_start3A_29 : memref<640x128xf32, #tpu.memory_space<vmem_shared>>) target(%dma_start3A_27 : memref<640x128xf32, #tpu.memory_space<hbm>>) target_semaphore(%run_scoped3A : memref<!tpu.dma_semaphore, #tpu.memory_space<semaphore_mem>>)
      %dma_wait3A = arith.constant 0 : i32
      %dma_wait3A_30 = tpu.memref_slice %arg5[%arg0, %mul3A_25, %dma_wait3A] : memref<2x10240x128xf32, #tpu.memory_space<hbm>> -> memref<1x640x128xf32, #tpu.memory_space<hbm>>
      %dma_wait3A_31 = tpu.memref_squeeze %dma_wait3A_30 : memref<1x640x128xf32, #tpu.memory_space<hbm>> -> memref<640x128xf32, #tpu.memory_space<hbm>>
      %dma_wait3A_32 = arith.constant 0 : i32
      %dma_wait3A_33 = tpu.memref_slice %arg11[%mul3A_23, %dma_wait3A_32] : memref<10240x128xf32, #tpu.memory_space<vmem_shared>> -> memref<640x128xf32, #tpu.memory_space<vmem_shared>>
      tpu.wait_dma2 semaphore(%run_scoped3A : memref<!tpu.dma_semaphore, #tpu.memory_space<semaphore_mem>>) src(%dma_wait3A_33 : memref<640x128xf32, #tpu.memory_space<vmem_shared>>) dst(%dma_wait3A_31 : memref<640x128xf32, #tpu.memory_space<hbm>>)
      tpu.yield
    }) : () -> ()
    return
  }
}

#map = affine_map<(d0, d1) -> (0)>
#map1 = affine_map<(d0, d1) -> (0, 0)>
module attributes {stable_mosaic.version = 14 : i64} {
  func.func @k(%arg0: i32, %arg1: i32, %arg2: memref<323584xi32, #tpu.memory_space<hbm>>, %arg3: memref<323584xi32, #tpu.memory_space<hbm>>, %arg4: memref<32x10240xf32, #tpu.memory_space<hbm>>, %arg5: memref<10112xi32, #tpu.memory_space<vmem>>, %arg6: memref<10112xi32, #tpu.memory_space<vmem>>, %arg7: memref<10240xf32, #tpu.memory_space<vmem>>) attributes {dimension_semantics = [#tpu.dimension_semantics<core_parallel>, #tpu.dimension_semantics<subcore_parallel>], iteration_bounds = array<i64: 2, 16>, scalar_prefetch = 0 : i64, scratch_operands = 3 : i64, tpu.core_type = #tpu.core_type<sc_vector_subcore>, window_params = [{transform_indices = #map}, {transform_indices = #map}, {transform_indices = #map1}]} {
    %mul3A = arith.constant 16 : i32
    %mul3A_0 = arith.muli %arg0, %mul3A : i32
    %add3A = arith.addi %mul3A_0, %arg1 : i32
    %mul3A_1 = arith.constant 10112 : i32
    %mul3A_2 = arith.muli %add3A, %mul3A_1 : i32
    "tpu.region"() ({
      %run_scoped3A = tpu.sem_alloc : memref<!tpu.dma_semaphore, #tpu.memory_space<semaphore_mem>>
      %dma_start3A = tpu.memref_slice %arg2[%mul3A_2] : memref<323584xi32, #tpu.memory_space<hbm>> -> memref<10112xi32, #tpu.memory_space<hbm>>
      %dma_start3A_16 = tpu.memref_slice %arg2[%mul3A_2] : memref<323584xi32, #tpu.memory_space<hbm>> -> memref<10112xi32, #tpu.memory_space<hbm>>
      tpu.enqueue_dma source(%dma_start3A_16 : memref<10112xi32, #tpu.memory_space<hbm>>) target(%arg5 : memref<10112xi32, #tpu.memory_space<vmem>>) target_semaphore(%run_scoped3A : memref<!tpu.dma_semaphore, #tpu.memory_space<semaphore_mem>>)
      %dma_wait3A = tpu.memref_slice %arg2[%mul3A_2] : memref<323584xi32, #tpu.memory_space<hbm>> -> memref<10112xi32, #tpu.memory_space<hbm>>
      %dma_wait3A_17 = tpu.memref_slice %arg2[%mul3A_2] : memref<323584xi32, #tpu.memory_space<hbm>> -> memref<10112xi32, #tpu.memory_space<hbm>>
      tpu.wait_dma2 semaphore(%run_scoped3A : memref<!tpu.dma_semaphore, #tpu.memory_space<semaphore_mem>>) src(%dma_wait3A_17 : memref<10112xi32, #tpu.memory_space<hbm>>) dst(%arg5 : memref<10112xi32, #tpu.memory_space<vmem>>)
      tpu.yield
    }) : () -> ()
    "tpu.region"() ({
      %run_scoped3A = tpu.sem_alloc : memref<!tpu.dma_semaphore, #tpu.memory_space<semaphore_mem>>
      %dma_start3A = tpu.memref_slice %arg3[%mul3A_2] : memref<323584xi32, #tpu.memory_space<hbm>> -> memref<10112xi32, #tpu.memory_space<hbm>>
      %dma_start3A_16 = tpu.memref_slice %arg3[%mul3A_2] : memref<323584xi32, #tpu.memory_space<hbm>> -> memref<10112xi32, #tpu.memory_space<hbm>>
      tpu.enqueue_dma source(%dma_start3A_16 : memref<10112xi32, #tpu.memory_space<hbm>>) target(%arg6 : memref<10112xi32, #tpu.memory_space<vmem>>) target_semaphore(%run_scoped3A : memref<!tpu.dma_semaphore, #tpu.memory_space<semaphore_mem>>)
      %dma_wait3A = tpu.memref_slice %arg3[%mul3A_2] : memref<323584xi32, #tpu.memory_space<hbm>> -> memref<10112xi32, #tpu.memory_space<hbm>>
      %dma_wait3A_17 = tpu.memref_slice %arg3[%mul3A_2] : memref<323584xi32, #tpu.memory_space<hbm>> -> memref<10112xi32, #tpu.memory_space<hbm>>
      tpu.wait_dma2 semaphore(%run_scoped3A : memref<!tpu.dma_semaphore, #tpu.memory_space<semaphore_mem>>) src(%dma_wait3A_17 : memref<10112xi32, #tpu.memory_space<hbm>>) dst(%arg6 : memref<10112xi32, #tpu.memory_space<vmem>>)
      tpu.yield
    }) : () -> ()
    %scan3A = arith.constant 0 : i32
    %scan3A_3 = arith.constant 0 : i32
    %scan3A_4 = arith.constant 640 : i32
    %scan3A_5 = arith.addi %scan3A_3, %scan3A_4 : i32
    %scan3A_6 = arith.constant 1 : i32
    %scan3A_7 = scf.for %scan3A_16 = %scan3A_3 to %scan3A_5 step %scan3A_6 iter_args(%scan3A_17 = %scan3A) -> (i32)  : i32 {
      %broadcast_in_dim3A = arith.constant 0.000000e+00 : f32
      %broadcast_in_dim3A_18 = vector.broadcast %broadcast_in_dim3A : f32 to vector<16xf32>
      %mul3A_19 = arith.constant 16 : i32
      %mul3A_20 = arith.muli %scan3A_16, %mul3A_19 : i32
      %swap3A = arith.index_cast %mul3A_20 : i32 to index
      %swap3A_21 = tpu.vector_load %arg7[%swap3A] {strides = array<i32>} : memref<10240xf32, #tpu.memory_space<vmem>>, vector<16xf32>,
      tpu.vector_store %arg7[%swap3A], %broadcast_in_dim3A_18 {strides = array<i32>} : memref<10240xf32, #tpu.memory_space<vmem>>, vector<16xf32>,
      %scan3A_22 = arith.constant 0 : i32
      scf.yield %scan3A_22 : i32
    }
    %scan3A_8 = arith.constant 640 : i32
    %scan3A_9 = arith.constant 0 : i32
    %scan3A_10 = arith.constant 0 : i32
    %scan3A_11 = arith.constant 632 : i32
    %scan3A_12 = arith.addi %scan3A_10, %scan3A_11 : i32
    %scan3A_13 = arith.constant 1 : i32
    %scan3A_14 = scf.for %scan3A_16 = %scan3A_10 to %scan3A_12 step %scan3A_13 iter_args(%scan3A_17 = %scan3A_9) -> (i32)  : i32 {
      %mul3A_18 = arith.constant 16 : i32
      %mul3A_19 = arith.muli %scan3A_16, %mul3A_18 : i32
      %get3A = arith.index_cast %mul3A_19 : i32 to index
      %get3A_20 = tpu.vector_load %arg5[%get3A] {strides = array<i32>} : memref<10112xi32, #tpu.memory_space<vmem>>, vector<16xi32>,
      %mul3A_21 = arith.constant 16 : i32
      %mul3A_22 = arith.muli %scan3A_16, %mul3A_21 : i32
      %get3A_23 = arith.index_cast %mul3A_22 : i32 to index
      %get3A_24 = tpu.vector_load %arg6[%get3A_23] {strides = array<i32>} : memref<10112xi32, #tpu.memory_space<vmem>>, vector<16xi32>,
      %ne3A = arith.constant 10000 : i32
      %ne3A_25 = vector.broadcast %ne3A : i32 to vector<16xi32>
      %ne3A_26 = arith.cmpi ne, %get3A_20, %ne3A_25 : vector<16xi32>
      %jit3A = arith.constant 1.000000e+00 : f32
      %jit3A_27 = arith.constant 0.000000e+00 : f32
      %broadcast_in_dim3A = vector.broadcast %jit3A : f32 to vector<16xf32>
      %broadcast_in_dim3A_28 = vector.broadcast %jit3A_27 : f32 to vector<16xf32>
      %select_n3A = arith.select %ne3A_26, %broadcast_in_dim3A, %broadcast_in_dim3A_28 : vector<16xi1>, vector<16xf32>
      tpu.vector_store_idx %arg7[%get3A_24], %select_n3A {add = true} : memref<10240xf32, #tpu.memory_space<vmem>>[vector<16xi32>], vector<16xf32>,
      %scan3A_29 = arith.constant 0 : i32
      scf.yield %scan3A_29 : i32
    }
    %scan3A_15 = arith.constant 632 : i32
    "tpu.region"() ({
      %run_scoped3A = tpu.sem_alloc : memref<!tpu.dma_semaphore, #tpu.memory_space<semaphore_mem>>
      %dma_start3A = arith.constant 0 : i32
      %dma_start3A_16 = tpu.memref_slice %arg4[%add3A, %dma_start3A] : memref<32x10240xf32, #tpu.memory_space<hbm>> -> memref<1x10240xf32, #tpu.memory_space<hbm>>
      %dma_start3A_17 = tpu.memref_squeeze %dma_start3A_16 : memref<1x10240xf32, #tpu.memory_space<hbm>> -> memref<10240xf32, #tpu.memory_space<hbm>>
      %dma_start3A_18 = arith.constant 0 : i32
      %dma_start3A_19 = tpu.memref_slice %arg4[%add3A, %dma_start3A_18] : memref<32x10240xf32, #tpu.memory_space<hbm>> -> memref<1x10240xf32, #tpu.memory_space<hbm>>
      %dma_start3A_20 = tpu.memref_squeeze %dma_start3A_19 : memref<1x10240xf32, #tpu.memory_space<hbm>> -> memref<10240xf32, #tpu.memory_space<hbm>>
      tpu.enqueue_dma source(%arg7 : memref<10240xf32, #tpu.memory_space<vmem>>) target(%dma_start3A_20 : memref<10240xf32, #tpu.memory_space<hbm>>) target_semaphore(%run_scoped3A : memref<!tpu.dma_semaphore, #tpu.memory_space<semaphore_mem>>)
      %dma_wait3A = arith.constant 0 : i32
      %dma_wait3A_21 = tpu.memref_slice %arg4[%add3A, %dma_wait3A] : memref<32x10240xf32, #tpu.memory_space<hbm>> -> memref<1x10240xf32, #tpu.memory_space<hbm>>
      %dma_wait3A_22 = tpu.memref_squeeze %dma_wait3A_21 : memref<1x10240xf32, #tpu.memory_space<hbm>> -> memref<10240xf32, #tpu.memory_space<hbm>>
      %dma_wait3A_23 = arith.constant 0 : i32
      %dma_wait3A_24 = tpu.memref_slice %arg4[%add3A, %dma_wait3A_23] : memref<32x10240xf32, #tpu.memory_space<hbm>> -> memref<1x10240xf32, #tpu.memory_space<hbm>>
      %dma_wait3A_25 = tpu.memref_squeeze %dma_wait3A_24 : memref<1x10240xf32, #tpu.memory_space<hbm>> -> memref<10240xf32, #tpu.memory_space<hbm>>
      tpu.wait_dma2 semaphore(%run_scoped3A : memref<!tpu.dma_semaphore, #tpu.memory_space<semaphore_mem>>) src(%arg7 : memref<10240xf32, #tpu.memory_space<vmem>>) dst(%dma_wait3A_25 : memref<10240xf32, #tpu.memory_space<hbm>>)
      tpu.yield
    }) : () -> ()
    return
  }
}

#map = affine_map<(d0, d1) -> (0, 0)>
#map1 = affine_map<(d0, d1) -> (0)>
#map2 = affine_map<(d0, d1) -> (0, 0, 0)>
module attributes {stable_mosaic.version = 14 : i64} {
  func.func @k(%arg0: i32, %arg1: i32, %arg2: memref<10240x128xf32, #tpu.memory_space<hbm>>, %arg3: memref<323584xi32, #tpu.memory_space<hbm>>, %arg4: memref<323584xi32, #tpu.memory_space<hbm>>, %arg5: memref<2x10240x128xf32, #tpu.memory_space<hbm>>, %arg6: memref<128xi32, #tpu.memory_space<vmem>>, %arg7: memref<128xi32, #tpu.memory_space<vmem>>, %arg8: memref<128x128xf32, #tpu.memory_space<vmem>>, %arg9: memref<64x128xf32, #tpu.memory_space<vmem>>, %arg10: memref<!tpu.dma_semaphore, #tpu.memory_space<semaphore_mem>>, %arg11: memref<10240x128xf32, #tpu.memory_space<vmem_shared>>) attributes {dimension_semantics = [#tpu.dimension_semantics<core_parallel>, #tpu.dimension_semantics<subcore_parallel>], iteration_bounds = array<i64: 2, 16>, scalar_prefetch = 0 : i64, scratch_operands = 6 : i64, tpu.core_type = #tpu.core_type<sc_vector_subcore>, window_params = [{transform_indices = #map}, {transform_indices = #map1}, {transform_indices = #map1}, {transform_indices = #map2}]} {
    %mul3A = arith.constant 16 : i32
    %mul3A_0 = arith.muli %arg0, %mul3A : i32
    %add3A = arith.addi %mul3A_0, %arg1 : i32
    %scan3A = arith.constant 0 : i32
    %scan3A_1 = arith.constant 0 : i32
    %scan3A_2 = arith.constant 512 : i32
    %scan3A_3 = arith.addi %scan3A_1, %scan3A_2 : i32
    %scan3A_4 = arith.constant 1 : i32
    %scan3A_5 = scf.for %scan3A_26 = %scan3A_1 to %scan3A_3 step %scan3A_4 iter_args(%scan3A_27 = %scan3A) -> (i32)  : i32 {
      %broadcast_in_dim3A = arith.constant 0.000000e+00 : f32
      %broadcast_in_dim3A_28 = vector.broadcast %broadcast_in_dim3A : f32 to vector<16xf32>
      %jit3A = arith.constant 8 : i32
      %div3A = arith.divsi %scan3A_26, %jit3A : i32
      %sign3A = arith.constant 0 : i32
      %sign3A_29 = arith.cmpi sgt, %scan3A_26, %sign3A : i32
      %sign3A_30 = arith.extui %sign3A_29 : i1 to i32
      %sign3A_31 = arith.constant 0 : i32
      %sign3A_32 = arith.cmpi slt, %scan3A_26, %sign3A_31 : i32
      %sign3A_33 = arith.extui %sign3A_32 : i1 to i32
      %sign3A_34 = arith.subi %sign3A_30, %sign3A_33 : i32
      %sign3A_35 = arith.constant 0 : i32
      %sign3A_36 = arith.cmpi sgt, %jit3A, %sign3A_35 : i32
      %sign3A_37 = arith.extui %sign3A_36 : i1 to i32
      %sign3A_38 = arith.constant 0 : i32
      %sign3A_39 = arith.cmpi slt, %jit3A, %sign3A_38 : i32
      %sign3A_40 = arith.extui %sign3A_39 : i1 to i32
      %sign3A_41 = arith.subi %sign3A_37, %sign3A_40 : i32
      %ne3A = arith.cmpi ne, %sign3A_34, %sign3A_41 : i32
      %rem3A = arith.remsi %scan3A_26, %jit3A : i32
      %ne3A_42 = arith.constant 0 : i32
      %ne3A_43 = arith.cmpi ne, %rem3A, %ne3A_42 : i32
      %and3A = arith.andi %ne3A, %ne3A_43 : i1
      %sub3A = arith.constant 1 : i32
      %sub3A_44 = arith.subi %div3A, %sub3A : i32
      %select_n3A = arith.select %and3A, %sub3A_44, %div3A : i32
      %jit3A_45 = arith.constant 8 : i32
      %eq3A = arith.constant 0 : i32
      %eq3A_46 = arith.cmpi eq, %jit3A_45, %eq3A : i32
      %jit3A_47 = arith.constant 1 : i32
      %select_n3A_48 = arith.select %eq3A_46, %jit3A_47, %jit3A_45 : i32
      %rem3A_49 = arith.remsi %scan3A_26, %select_n3A_48 : i32
      %ne3A_50 = arith.constant 0 : i32
      %ne3A_51 = arith.cmpi ne, %rem3A_49, %ne3A_50 : i32
      %lt3A = arith.constant 0 : i32
      %lt3A_52 = arith.cmpi slt, %rem3A_49, %lt3A : i32
      %lt3A_53 = arith.constant 0 : i32
      %lt3A_54 = arith.cmpi slt, %select_n3A_48, %lt3A_53 : i32
      %ne3A_55 = arith.xori %lt3A_52, %lt3A_54 : i1
      %and3A_56 = arith.andi %ne3A_55, %ne3A_51 : i1
      %add3A_57 = arith.addi %rem3A_49, %select_n3A_48 : i32
      %select_n3A_58 = arith.select %and3A_56, %add3A_57, %rem3A_49 : i32
      %mul3A_59 = arith.constant 16 : i32
      %mul3A_60 = arith.muli %select_n3A_58, %mul3A_59 : i32
      %swap3A = arith.index_cast %select_n3A : i32 to index
      %swap3A_61 = arith.index_cast %mul3A_60 : i32 to index
      %swap3A_62 = tpu.vector_load %arg9[%swap3A, %swap3A_61] {strides = array<i32>} : memref<64x128xf32, #tpu.memory_space<vmem>>, vector<16xf32>,
      tpu.vector_store %arg9[%swap3A, %swap3A_61], %broadcast_in_dim3A_28 {strides = array<i32>} : memref<64x128xf32, #tpu.memory_space<vmem>>, vector<16xf32>,
      %scan3A_63 = arith.constant 0 : i32
      scf.yield %scan3A_63 : i32
    }
    %scan3A_6 = arith.constant 512 : i32
    %scan3A_7 = arith.constant 0 : i32
    %scan3A_8 = arith.constant 0 : i32
    %scan3A_9 = arith.constant 10 : i32
    %scan3A_10 = arith.addi %scan3A_8, %scan3A_9 : i32
    %scan3A_11 = arith.constant 1 : i32
    %scan3A_12 = scf.for %scan3A_26 = %scan3A_8 to %scan3A_10 step %scan3A_11 iter_args(%scan3A_27 = %scan3A_7) -> (i32)  : i32 {
      %mul3A_28 = arith.constant 640 : i32
      %mul3A_29 = arith.muli %arg1, %mul3A_28 : i32
      %mul3A_30 = arith.constant 64 : i32
      %mul3A_31 = arith.muli %scan3A_26, %mul3A_30 : i32
      %add3A_32 = arith.addi %mul3A_29, %mul3A_31 : i32
      "tpu.region"() ({
        %run_scoped3A = tpu.sem_alloc : memref<!tpu.dma_semaphore, #tpu.memory_space<semaphore_mem>>
        %dma_start3A = arith.constant 0 : i32
        %dma_start3A_34 = tpu.memref_slice %arg11[%add3A_32, %dma_start3A] : memref<10240x128xf32, #tpu.memory_space<vmem_shared>> -> memref<64x128xf32, #tpu.memory_space<vmem_shared>>
        %dma_start3A_35 = arith.constant 0 : i32
        %dma_start3A_36 = tpu.memref_slice %arg11[%add3A_32, %dma_start3A_35] : memref<10240x128xf32, #tpu.memory_space<vmem_shared>> -> memref<64x128xf32, #tpu.memory_space<vmem_shared>>
        tpu.enqueue_dma source(%arg9 : memref<64x128xf32, #tpu.memory_space<vmem>>) target(%dma_start3A_36 : memref<64x128xf32, #tpu.memory_space<vmem_shared>>) target_semaphore(%run_scoped3A : memref<!tpu.dma_semaphore, #tpu.memory_space<semaphore_mem>>)
        %dma_wait3A = arith.constant 0 : i32
        %dma_wait3A_37 = tpu.memref_slice %arg11[%add3A_32, %dma_wait3A] : memref<10240x128xf32, #tpu.memory_space<vmem_shared>> -> memref<64x128xf32, #tpu.memory_space<vmem_shared>>
        %dma_wait3A_38 = arith.constant 0 : i32
        %dma_wait3A_39 = tpu.memref_slice %arg11[%add3A_32, %dma_wait3A_38] : memref<10240x128xf32, #tpu.memory_space<vmem_shared>> -> memref<64x128xf32, #tpu.memory_space<vmem_shared>>
        tpu.wait_dma2 semaphore(%run_scoped3A : memref<!tpu.dma_semaphore, #tpu.memory_space<semaphore_mem>>) src(%arg9 : memref<64x128xf32, #tpu.memory_space<vmem>>) dst(%dma_wait3A_39 : memref<64x128xf32, #tpu.memory_space<vmem_shared>>)
        tpu.yield
      }) : () -> ()
      %scan3A_33 = arith.constant 0 : i32
      scf.yield %scan3A_33 : i32
    }
    %scan3A_13 = arith.constant 10 : i32
    %barrier3A = arith.constant 0 : index
    tpu.barrier barrier_id(%barrier3A)
    %scan3A_14 = arith.constant 0 : i32
    %scan3A_15 = arith.constant 0 : i32
    %scan3A_16 = arith.constant 79 : i32
    %scan3A_17 = arith.addi %scan3A_15, %scan3A_16 : i32
    %scan3A_18 = arith.constant 1 : i32
    %scan3A_19 = scf.for %scan3A_26 = %scan3A_15 to %scan3A_17 step %scan3A_18 iter_args(%scan3A_27 = %scan3A_14) -> (i32)  : i32 {
      %mul3A_28 = arith.constant 10112 : i32
      %mul3A_29 = arith.muli %add3A, %mul3A_28 : i32
      %mul3A_30 = arith.constant 128 : i32
      %mul3A_31 = arith.muli %scan3A_26, %mul3A_30 : i32
      %add3A_32 = arith.addi %mul3A_29, %mul3A_31 : i32
      "tpu.region"() ({
        %run_scoped3A = tpu.sem_alloc : memref<!tpu.dma_semaphore, #tpu.memory_space<semaphore_mem>>
        %dma_start3A_38 = tpu.memref_slice %arg3[%add3A_32] : memref<323584xi32, #tpu.memory_space<hbm>> -> memref<128xi32, #tpu.memory_space<hbm>>
        %dma_start3A_39 = tpu.memref_slice %arg3[%add3A_32] : memref<323584xi32, #tpu.memory_space<hbm>> -> memref<128xi32, #tpu.memory_space<hbm>>
        tpu.enqueue_dma source(%dma_start3A_39 : memref<128xi32, #tpu.memory_space<hbm>>) target(%arg6 : memref<128xi32, #tpu.memory_space<vmem>>) target_semaphore(%run_scoped3A : memref<!tpu.dma_semaphore, #tpu.memory_space<semaphore_mem>>)
        %dma_wait3A_40 = tpu.memref_slice %arg3[%add3A_32] : memref<323584xi32, #tpu.memory_space<hbm>> -> memref<128xi32, #tpu.memory_space<hbm>>
        %dma_wait3A_41 = tpu.memref_slice %arg3[%add3A_32] : memref<323584xi32, #tpu.memory_space<hbm>> -> memref<128xi32, #tpu.memory_space<hbm>>
        tpu.wait_dma2 semaphore(%run_scoped3A : memref<!tpu.dma_semaphore, #tpu.memory_space<semaphore_mem>>) src(%dma_wait3A_41 : memref<128xi32, #tpu.memory_space<hbm>>) dst(%arg6 : memref<128xi32, #tpu.memory_space<vmem>>)
        tpu.yield
      }) : () -> ()
      "tpu.region"() ({
        %run_scoped3A = tpu.sem_alloc : memref<!tpu.dma_semaphore, #tpu.memory_space<semaphore_mem>>
        %dma_start3A_38 = tpu.memref_slice %arg4[%add3A_32] : memref<323584xi32, #tpu.memory_space<hbm>> -> memref<128xi32, #tpu.memory_space<hbm>>
        %dma_start3A_39 = tpu.memref_slice %arg4[%add3A_32] : memref<323584xi32, #tpu.memory_space<hbm>> -> memref<128xi32, #tpu.memory_space<hbm>>
        tpu.enqueue_dma source(%dma_start3A_39 : memref<128xi32, #tpu.memory_space<hbm>>) target(%arg7 : memref<128xi32, #tpu.memory_space<vmem>>) target_semaphore(%run_scoped3A : memref<!tpu.dma_semaphore, #tpu.memory_space<semaphore_mem>>)
        %dma_wait3A_40 = tpu.memref_slice %arg4[%add3A_32] : memref<323584xi32, #tpu.memory_space<hbm>> -> memref<128xi32, #tpu.memory_space<hbm>>
        %dma_wait3A_41 = tpu.memref_slice %arg4[%add3A_32] : memref<323584xi32, #tpu.memory_space<hbm>> -> memref<128xi32, #tpu.memory_space<hbm>>
        tpu.wait_dma2 semaphore(%run_scoped3A : memref<!tpu.dma_semaphore, #tpu.memory_space<semaphore_mem>>) src(%dma_wait3A_41 : memref<128xi32, #tpu.memory_space<hbm>>) dst(%arg7 : memref<128xi32, #tpu.memory_space<vmem>>)
        tpu.yield
      }) : () -> ()
      %dma_start3A = arith.constant 0 : i32
      %dma_start3A_33 = arith.constant 0 : i32
      %dma_start3A_34 = tpu.memref_slice %arg2[%dma_start3A, %dma_start3A_33] : memref<10240x128xf32, #tpu.memory_space<hbm>> -> memref<10240x128xf32, #tpu.memory_space<hbm>>
      tpu.enqueue_indirect_dma source(%dma_start3A_34 : memref<10240x128xf32, #tpu.memory_space<hbm>>) target(%arg8 : memref<128x128xf32, #tpu.memory_space<vmem>>) offsets(%arg6 : memref<128xi32, #tpu.memory_space<vmem>>) semaphore(%arg10 : memref<!tpu.dma_semaphore, #tpu.memory_space<semaphore_mem>>)
      %dma_wait3A = arith.constant 0 : i32
      %dma_wait3A_35 = arith.constant 0 : i32
      %dma_wait3A_36 = tpu.memref_slice %arg2[%dma_wait3A, %dma_wait3A_35] : memref<10240x128xf32, #tpu.memory_space<hbm>> -> memref<10240x128xf32, #tpu.memory_space<hbm>>
      tpu.wait_indirect_dma semaphore(%arg10 : memref<!tpu.dma_semaphore, #tpu.memory_space<semaphore_mem>>) src(%dma_wait3A_36 : memref<10240x128xf32, #tpu.memory_space<hbm>>) dst(%arg8 : memref<128x128xf32, #tpu.memory_space<vmem>>)
      "tpu.region"() ({
        %run_scoped3A = tpu.sem_alloc : memref<!tpu.dma_semaphore, #tpu.memory_space<semaphore_mem>>
        %dma_start3A_38 = arith.constant 0 : i32
        %dma_start3A_39 = arith.constant 0 : i32
        %dma_start3A_40 = tpu.memref_slice %arg11[%dma_start3A_38, %dma_start3A_39] : memref<10240x128xf32, #tpu.memory_space<vmem_shared>> -> memref<10240x128xf32, #tpu.memory_space<vmem_shared>>
        tpu.enqueue_indirect_dma source(%arg8 : memref<128x128xf32, #tpu.memory_space<vmem>>) target(%dma_start3A_40 : memref<10240x128xf32, #tpu.memory_space<vmem_shared>>) offsets(%arg7 : memref<128xi32, #tpu.memory_space<vmem>>) semaphore(%run_scoped3A : memref<!tpu.dma_semaphore, #tpu.memory_space<semaphore_mem>>) {add = true}
        %dma_wait3A_41 = arith.constant 0 : i32
        %dma_wait3A_42 = arith.constant 0 : i32
        %dma_wait3A_43 = tpu.memref_slice %arg11[%dma_wait3A_41, %dma_wait3A_42] : memref<10240x128xf32, #tpu.memory_space<vmem_shared>> -> memref<10240x128xf32, #tpu.memory_space<vmem_shared>>
        tpu.wait_indirect_dma semaphore(%run_scoped3A : memref<!tpu.dma_semaphore, #tpu.memory_space<semaphore_mem>>) src(%arg8 : memref<128x128xf32, #tpu.memory_space<vmem>>) dst(%dma_wait3A_43 : memref<10240x128xf32, #tpu.memory_space<vmem_shared>>)
        tpu.yield
      }) : () -> ()
      %scan3A_37 = arith.constant 0 : i32
      scf.yield %scan3A_37 : i32
    }
    %scan3A_20 = arith.constant 79 : i32
    %barrier3A_21 = arith.constant 0 : index
    tpu.barrier barrier_id(%barrier3A_21)
    %mul3A_22 = arith.constant 640 : i32
    %mul3A_23 = arith.muli %arg1, %mul3A_22 : i32
    %mul3A_24 = arith.constant 640 : i32
    %mul3A_25 = arith.muli %arg1, %mul3A_24 : i32
    "tpu.region"() ({
      %run_scoped3A = tpu.sem_alloc : memref<!tpu.dma_semaphore, #tpu.memory_space<semaphore_mem>>
      %dma_start3A = arith.constant 0 : i32
      %dma_start3A_26 = tpu.memref_slice %arg5[%arg0, %mul3A_25, %dma_start3A] : memref<2x10240x128xf32, #tpu.memory_space<hbm>> -> memref<1x640x128xf32, #tpu.memory_space<hbm>>
      %dma_start3A_27 = tpu.memref_squeeze %dma_start3A_26 : memref<1x640x128xf32, #tpu.memory_space<hbm>> -> memref<640x128xf32, #tpu.memory_space<hbm>>
      %dma_start3A_28 = arith.constant 0 : i32
      %dma_start3A_29 = tpu.memref_slice %arg11[%mul3A_23, %dma_start3A_28] : memref<10240x128xf32, #tpu.memory_space<vmem_shared>> -> memref<640x128xf32, #tpu.memory_space<vmem_shared>>
      tpu.enqueue_dma source(%dma_start3A_29 : memref<640x128xf32, #tpu.memory_space<vmem_shared>>) target(%dma_start3A_27 : memref<640x128xf32, #tpu.memory_space<hbm>>) target_semaphore(%run_scoped3A : memref<!tpu.dma_semaphore, #tpu.memory_space<semaphore_mem>>)
      %dma_wait3A = arith.constant 0 : i32
      %dma_wait3A_30 = tpu.memref_slice %arg5[%arg0, %mul3A_25, %dma_wait3A] : memref<2x10240x128xf32, #tpu.memory_space<hbm>> -> memref<1x640x128xf32, #tpu.memory_space<hbm>>
      %dma_wait3A_31 = tpu.memref_squeeze %dma_wait3A_30 : memref<1x640x128xf32, #tpu.memory_space<hbm>> -> memref<640x128xf32, #tpu.memory_space<hbm>>
      %dma_wait3A_32 = arith.constant 0 : i32
      %dma_wait3A_33 = tpu.memref_slice %arg11[%mul3A_23, %dma_wait3A_32] : memref<10240x128xf32, #tpu.memory_space<vmem_shared>> -> memref<640x128xf32, #tpu.memory_space<vmem_shared>>
      tpu.wait_dma2 semaphore(%run_scoped3A : memref<!tpu.dma_semaphore, #tpu.memory_space<semaphore_mem>>) src(%dma_wait3A_33 : memref<640x128xf32, #tpu.memory_space<vmem_shared>>) dst(%dma_wait3A_31 : memref<640x128xf32, #tpu.memory_space<hbm>>)
      tpu.yield
    }) : () -> ()
    return
  }
}

module attributes {stable_mosaic.version = 14 : i64} {
  func.func @body(%arg0: i32, %arg1: memref<256x128xf32, #tpu.memory_space<vmem>>, %arg2: memref<32x256xf32, #tpu.memory_space<vmem>>, %arg3: memref<256x128xf32, #tpu.memory_space<vmem>>, %arg4: memref<256x128xf32, #tpu.memory_space<vmem>>) attributes {dimension_semantics = [#tpu.dimension_semantics<arbitrary>], iteration_bounds = array<i64: 40>, scalar_prefetch = 0 : i64, scratch_operands = 0 : i64, tpu.core_type = #tpu.core_type<tc>, window_params = [{transform_indices = @transform_0, window_bounds = array<i64: 256, 128>}, {transform_indices = @transform_1, window_bounds = array<i64: 32, 256>}, {transform_indices = @transform_2, window_bounds = array<i64: 256, 128>}, {transform_indices = @transform_3, window_bounds = array<i64: 256, 128>}]} {
    %get3A = arith.constant 0 : index
    %get3A_0 = arith.constant 0 : index
    %get3A_1 = vector.load %arg2[%get3A, %get3A_0] : memref<32x256xf32, #tpu.memory_space<vmem>>, vector<32x256xf32>
    %reduce_sum3A = arith.constant dense<0.000000e+00> : vector<256xf32>
    %reduce_sum3A_2 = vector.multi_reduction <add>, %get3A_1, %reduce_sum3A [0] : vector<32x256xf32> to vector<256xf32>
    %add3A = arith.constant 1.000000e+00 : f32
    %add3A_3 = vector.broadcast %add3A : f32 to vector<256xf32>
    %add3A_4 = arith.addf %reduce_sum3A_2, %add3A_3 : vector<256xf32>
    %rsqrt3A = math.rsqrt %add3A_4 : vector<256xf32>
    %broadcast_in_dim3A = vector.shape_cast %rsqrt3A : vector<256xf32> to vector<256x1xf32>
    %get3A_5 = arith.constant 0 : index
    %get3A_6 = arith.constant 0 : index
    %get3A_7 = vector.load %arg1[%get3A_5, %get3A_6] : memref<256x128xf32, #tpu.memory_space<vmem>>, vector<256x128xf32>
    %mul3A = vector.broadcast %broadcast_in_dim3A : vector<256x1xf32> to vector<256x128xf32>
    %mul3A_8 = arith.mulf %get3A_7, %mul3A : vector<256x128xf32>
    %swap3A = arith.constant 0 : index
    %swap3A_9 = arith.constant 0 : index
    %swap3A_10 = vector.load %arg3[%swap3A, %swap3A_9] : memref<256x128xf32, #tpu.memory_space<vmem>>, vector<256x128xf32>
    tpu.vector_store %arg3[%swap3A, %swap3A_9], %mul3A_8 {strides = array<i32>} : memref<256x128xf32, #tpu.memory_space<vmem>>, vector<256x128xf32>,
    %broadcast_in_dim3A_11 = vector.shape_cast %broadcast_in_dim3A : vector<256x1xf32> to vector<256x1xf32>
    %broadcast_in_dim3A_12 = vector.broadcast %broadcast_in_dim3A_11 : vector<256x1xf32> to vector<256x128xf32>
    %swap3A_13 = arith.constant 0 : index
    %swap3A_14 = arith.constant 0 : index
    %swap3A_15 = vector.load %arg4[%swap3A_13, %swap3A_14] : memref<256x128xf32, #tpu.memory_space<vmem>>, vector<256x128xf32>
    tpu.vector_store %arg4[%swap3A_13, %swap3A_14], %broadcast_in_dim3A_12 {strides = array<i32>} : memref<256x128xf32, #tpu.memory_space<vmem>>, vector<256x128xf32>,
    return
  }
  func.func @transform_0(%arg0: i32) -> (i32, i32) {
    %c0_i32 = arith.constant 0 : i32
    %c0_i32_0 = arith.constant 0 : i32
    return %arg0, %c0_i32 : i32, i32
  }
  func.func @transform_1(%arg0: i32) -> (i32, i32) {
    %c0_i32 = arith.constant 0 : i32
    %c0_i32_0 = arith.constant 0 : i32
    return %c0_i32, %arg0 : i32, i32
  }
  func.func @transform_2(%arg0: i32) -> (i32, i32) {
    %c0_i32 = arith.constant 0 : i32
    %c0_i32_0 = arith.constant 0 : i32
    return %arg0, %c0_i32 : i32, i32
  }
  func.func @transform_3(%arg0: i32) -> (i32, i32) {
    %c0_i32 = arith.constant 0 : i32
    %c0_i32_0 = arith.constant 0 : i32
    return %arg0, %c0_i32 : i32, i32
  }
}

module attributes {stable_mosaic.version = 14 : i64} {
  func.func @body(%arg0: i32, %arg1: memref<2x256x128xf32, #tpu.memory_space<vmem>>, %arg2: memref<256x128xf32, #tpu.memory_space<vmem>>, %arg3: memref<256x128xf32, #tpu.memory_space<vmem>>, %arg4: memref<256x128xf32, #tpu.memory_space<vmem>>) attributes {dimension_semantics = [#tpu.dimension_semantics<arbitrary>], iteration_bounds = array<i64: 40>, scalar_prefetch = 0 : i64, scratch_operands = 0 : i64, tpu.core_type = #tpu.core_type<tc>, window_params = [{transform_indices = @transform_0, window_bounds = array<i64: 2, 256, 128>}, {transform_indices = @transform_1, window_bounds = array<i64: 256, 128>}, {transform_indices = @transform_2, window_bounds = array<i64: 256, 128>}, {transform_indices = @transform_3, window_bounds = array<i64: 256, 128>}]} {
    %get3A = arith.constant 0 : index
    %get3A_0 = arith.constant 0 : index
    %get3A_1 = arith.constant 0 : index
    %get3A_2 = vector.load %arg1[%get3A, %get3A_0, %get3A_1] : memref<2x256x128xf32, #tpu.memory_space<vmem>>, vector<1x256x128xf32>
    %get3A_3 = vector.shape_cast %get3A_2 : vector<1x256x128xf32> to vector<256x128xf32>
    %get3A_4 = arith.constant 1 : index
    %get3A_5 = arith.constant 0 : index
    %get3A_6 = arith.constant 0 : index
    %get3A_7 = vector.load %arg1[%get3A_4, %get3A_5, %get3A_6] : memref<2x256x128xf32, #tpu.memory_space<vmem>>, vector<1x256x128xf32>
    %get3A_8 = vector.shape_cast %get3A_7 : vector<1x256x128xf32> to vector<256x128xf32>
    %add3A = arith.addf %get3A_3, %get3A_8 : vector<256x128xf32>
    %get3A_9 = arith.constant 0 : index
    %get3A_10 = arith.constant 0 : index
    %get3A_11 = vector.load %arg3[%get3A_9, %get3A_10] : memref<256x128xf32, #tpu.memory_space<vmem>>, vector<256x128xf32>
    %get3A_12 = arith.constant 0 : index
    %get3A_13 = arith.constant 0 : index
    %get3A_14 = vector.load %arg2[%get3A_12, %get3A_13] : memref<256x128xf32, #tpu.memory_space<vmem>>, vector<256x128xf32>
    %add3A_15 = arith.addf %add3A, %get3A_14 : vector<256x128xf32>
    %mul3A = arith.mulf %get3A_11, %add3A_15 : vector<256x128xf32>
    %reduce_max3A = arith.constant dense<0xFF800000> : vector<256xf32>
    %reduce_max3A_16 = vector.multi_reduction <maximumf>, %mul3A, %reduce_max3A [1] : vector<256x128xf32> to vector<256xf32>
    %broadcast_in_dim3A = vector.shape_cast %reduce_max3A_16 : vector<256xf32> to vector<256x1xf32>
    %sub3A = vector.broadcast %broadcast_in_dim3A : vector<256x1xf32> to vector<256x128xf32>
    %sub3A_17 = arith.subf %mul3A, %sub3A : vector<256x128xf32>
    %exp3A = math.exp %sub3A_17 : vector<256x128xf32>
    %reduce_sum3A = arith.constant dense<0.000000e+00> : vector<256xf32>
    %reduce_sum3A_18 = vector.multi_reduction <add>, %exp3A, %reduce_sum3A [1] : vector<256x128xf32> to vector<256xf32>
    %broadcast_in_dim3A_19 = vector.shape_cast %reduce_sum3A_18 : vector<256xf32> to vector<256x1xf32>
    %log3A = math.log %broadcast_in_dim3A_19 : vector<256x1xf32>
    %add3A_20 = arith.addf %broadcast_in_dim3A, %log3A : vector<256x1xf32>
    %sub3A_21 = vector.broadcast %add3A_20 : vector<256x1xf32> to vector<256x128xf32>
    %sub3A_22 = arith.subf %mul3A, %sub3A_21 : vector<256x128xf32>
    %swap3A = arith.constant 0 : index
    %swap3A_23 = arith.constant 0 : index
    %swap3A_24 = vector.load %arg4[%swap3A, %swap3A_23] : memref<256x128xf32, #tpu.memory_space<vmem>>, vector<256x128xf32>
    tpu.vector_store %arg4[%swap3A, %swap3A_23], %sub3A_22 {strides = array<i32>} : memref<256x128xf32, #tpu.memory_space<vmem>>, vector<256x128xf32>,
    return
  }
  func.func @transform_0(%arg0: i32) -> (i32, i32, i32) {
    %c0_i32 = arith.constant 0 : i32
    %c0_i32_0 = arith.constant 0 : i32
    %c0_i32_1 = arith.constant 0 : i32
    return %c0_i32, %arg0, %c0_i32_0 : i32, i32, i32
  }
  func.func @transform_1(%arg0: i32) -> (i32, i32) {
    %c0_i32 = arith.constant 0 : i32
    %c0_i32_0 = arith.constant 0 : i32
    return %arg0, %c0_i32 : i32, i32
  }
  func.func @transform_2(%arg0: i32) -> (i32, i32) {
    %c0_i32 = arith.constant 0 : i32
    %c0_i32_0 = arith.constant 0 : i32
    return %arg0, %c0_i32 : i32, i32
  }
  func.func @transform_3(%arg0: i32) -> (i32, i32) {
    %c0_i32 = arith.constant 0 : i32
    %c0_i32_0 = arith.constant 0 : i32
    return %arg0, %c0_i32 : i32, i32
  }
}

module attributes {stable_mosaic.version = 14 : i64} {
  func.func @body(%arg0: i32, %arg1: memref<2x256x128xf32, #tpu.memory_space<vmem>>, %arg2: memref<256x128xf32, #tpu.memory_space<vmem>>, %arg3: memref<256x128xf32, #tpu.memory_space<vmem>>, %arg4: memref<128x256xf32, #tpu.memory_space<vmem>>, %arg5: memref<256x128xf32, #tpu.memory_space<vmem>>, %arg6: memref<256x128xf32, #tpu.memory_space<vmem>>) attributes {dimension_semantics = [#tpu.dimension_semantics<arbitrary>], iteration_bounds = array<i64: 40>, scalar_prefetch = 0 : i64, scratch_operands = 0 : i64, tpu.core_type = #tpu.core_type<tc>, window_params = [{transform_indices = @transform_0, window_bounds = array<i64: 2, 256, 128>}, {transform_indices = @transform_1, window_bounds = array<i64: 256, 128>}, {transform_indices = @transform_2, window_bounds = array<i64: 256, 128>}, {pipeline_mode = #tpu.pipeline_mode<synchronous>, transform_indices = @transform_3, window_bounds = array<i64: 128, 256>}, {pipeline_mode = #tpu.pipeline_mode<synchronous>, transform_indices = @transform_4, window_bounds = array<i64: 256, 128>}, {transform_indices = @transform_5, window_bounds = array<i64: 256, 128>}]} {
    %get3A = arith.constant 0 : index
    %get3A_0 = arith.constant 0 : index
    %get3A_1 = arith.constant 0 : index
    %get3A_2 = vector.load %arg1[%get3A, %get3A_0, %get3A_1] : memref<2x256x128xf32, #tpu.memory_space<vmem>>, vector<1x256x128xf32>
    %get3A_3 = vector.shape_cast %get3A_2 : vector<1x256x128xf32> to vector<256x128xf32>
    %get3A_4 = arith.constant 1 : index
    %get3A_5 = arith.constant 0 : index
    %get3A_6 = arith.constant 0 : index
    %get3A_7 = vector.load %arg1[%get3A_4, %get3A_5, %get3A_6] : memref<2x256x128xf32, #tpu.memory_space<vmem>>, vector<1x256x128xf32>
    %get3A_8 = vector.shape_cast %get3A_7 : vector<1x256x128xf32> to vector<256x128xf32>
    %add3A = arith.addf %get3A_3, %get3A_8 : vector<256x128xf32>
    %get3A_9 = arith.constant 0 : index
    %get3A_10 = arith.constant 0 : index
    %get3A_11 = vector.load %arg3[%get3A_9, %get3A_10] : memref<256x128xf32, #tpu.memory_space<vmem>>, vector<256x128xf32>
    %get3A_12 = arith.constant 0 : index
    %get3A_13 = arith.constant 0 : index
    %get3A_14 = vector.load %arg2[%get3A_12, %get3A_13] : memref<256x128xf32, #tpu.memory_space<vmem>>, vector<256x128xf32>
    %add3A_15 = arith.addf %add3A, %get3A_14 : vector<256x128xf32>
    %mul3A = arith.mulf %get3A_11, %add3A_15 : vector<256x128xf32>
    %get3A_16 = arith.constant 0 : index
    %get3A_17 = arith.constant 0 : index
    %get3A_18 = vector.load %arg4[%get3A_16, %get3A_17] : memref<128x256xf32, #tpu.memory_space<vmem>>, vector<128x256xf32>
    %dot_general3A = arith.constant dense<0.000000e+00> : vector<256x256xf32>
    %dot_general3A_19 = tpu.matmul %mul3A, %get3A_18, %dot_general3A {dimension_numbers = #tpu.dot_dimension_numbers<[1], [0], [0], [1], [0, 0, 1, 1], [], []>, transpose_lhs_hint = false} : vector<256x128xf32>, vector<128x256xf32>, vector<256x256xf32> -> vector<256x256xf32>
    %max3A = arith.constant 0.000000e+00 : f32
    %max3A_20 = vector.broadcast %max3A : f32 to vector<256x256xf32>
    %max3A_21 = arith.maximumf %dot_general3A_19, %max3A_20 : vector<256x256xf32>
    %get3A_22 = arith.constant 0 : index
    %get3A_23 = arith.constant 0 : index
    %get3A_24 = vector.load %arg5[%get3A_22, %get3A_23] : memref<256x128xf32, #tpu.memory_space<vmem>>, vector<256x128xf32>
    %dot_general3A_25 = arith.constant dense<0.000000e+00> : vector<256x128xf32>
    %dot_general3A_26 = tpu.matmul %max3A_21, %get3A_24, %dot_general3A_25 {dimension_numbers = #tpu.dot_dimension_numbers<[1], [0], [0], [1], [0, 0, 1, 1], [], []>, transpose_lhs_hint = false} : vector<256x256xf32>, vector<256x128xf32>, vector<256x128xf32> -> vector<256x128xf32>
    %get3A_27 = arith.constant 0 : index
    %get3A_28 = arith.constant 0 : index
    %get3A_29 = vector.load %arg3[%get3A_27, %get3A_28] : memref<256x128xf32, #tpu.memory_space<vmem>>, vector<256x128xf32>
    %mul3A_30 = arith.mulf %get3A_29, %dot_general3A_26 : vector<256x128xf32>
    %swap3A = arith.constant 0 : index
    %swap3A_31 = arith.constant 0 : index
    %swap3A_32 = vector.load %arg6[%swap3A, %swap3A_31] : memref<256x128xf32, #tpu.memory_space<vmem>>, vector<256x128xf32>
    tpu.vector_store %arg6[%swap3A, %swap3A_31], %mul3A_30 {strides = array<i32>} : memref<256x128xf32, #tpu.memory_space<vmem>>, vector<256x128xf32>,
    return
  }
  func.func @transform_0(%arg0: i32) -> (i32, i32, i32) {
    %c0_i32 = arith.constant 0 : i32
    %c0_i32_0 = arith.constant 0 : i32
    %c0_i32_1 = arith.constant 0 : i32
    return %c0_i32, %arg0, %c0_i32_0 : i32, i32, i32
  }
  func.func @transform_1(%arg0: i32) -> (i32, i32) {
    %c0_i32 = arith.constant 0 : i32
    %c0_i32_0 = arith.constant 0 : i32
    return %arg0, %c0_i32 : i32, i32
  }
  func.func @transform_2(%arg0: i32) -> (i32, i32) {
    %c0_i32 = arith.constant 0 : i32
    %c0_i32_0 = arith.constant 0 : i32
    return %arg0, %c0_i32 : i32, i32
  }
  func.func @transform_3(%arg0: i32) -> (i32, i32) {
    %c0_i32 = arith.constant 0 : i32
    %c0_i32_0 = arith.constant 0 : i32
    %c0_i32_1 = arith.constant 0 : i32
    return %c0_i32, %c0_i32_0 : i32, i32
  }
  func.func @transform_4(%arg0: i32) -> (i32, i32) {
    %c0_i32 = arith.constant 0 : i32
    %c0_i32_0 = arith.constant 0 : i32
    %c0_i32_1 = arith.constant 0 : i32
    return %c0_i32, %c0_i32_0 : i32, i32
  }
  func.func @transform_5(%arg0: i32) -> (i32, i32) {
    %c0_i32 = arith.constant 0 : i32
    %c0_i32_0 = arith.constant 0 : i32
    return %arg0, %c0_i32 : i32, i32
  }
}

</mosaic_0001>

<sc_bundles>
// kernel: kernel.11.cloned.1.call-start
scs
__scs_entry_jumppad:
0x0: {  	(pc) =	sbr.rel $0x88, $3  }
0x1: {  	(tag) =	ssettag $0x0;
	lr =	simm.s32 $0x1  }
0x2: {  	[smem:$0x3F9D] =	sst lr;
	_ =	strace $0xD0000000  }
0x3: {  	_ = 	snop  }
0x4: {  	_ = 	snop  }
0x5: {  	_ = 	snop  }
0x6: {  	_ = 	snop  }
0x7: {  	_ = 	snop  }
__scs_overlays_trampoline_lowered:
0x8: {  	[smem:$0x3FAC] =	sst s0  }
0x9: {  	[smem:$0x3FAD] =	sst s1  }
0xa: {  	[smem:$0x3FAE] =	sst s2  }
0xb: {  	[smem:$0x3FAF] =	sst s3  }
0xc: {  	[smem:$0x3FB0] =	sst s4  }
0xd: {  	[smem:$0x3FB1] =	sst s5  }
0xe: {  	[smem:$0x3FB2] =	sst s6  }
0xf: {  	[smem:$0x3FB3] =	sst s7  }
0x10: {  	[smem:$0x3FB4] =	sst s8  }
0x11: {  	[smem:$0x3FB5] =	sst s9;
	s0 =	simm.s32 @!p0 $0x0  }
0x12: {  	s1 =	sld [smem:$0x3F9B];
	s0 =	simm.s32 @p0 $0x1  }
0x13: {  	[smem:$0x3FB6] =	sst s0;
	s0 =	simm.s32 @!p1 $0x0  }
0x14: {  	s2 =	sld [smem:$0x3F9A];
	s0 =	simm.s32 @p1 $0x1  }
0x15: {  	[smem:$0x3FB7] =	sst s0;
	s0 =	simm.s32 @!p2 $0x0  }
0x16: {  	s3 =	sld [smem:$0x3FDB];
	s0 =	simm.s32 @p2 $0x1  }
0x17: {  	s4 =	simm.s32 $0x1BF5;
	[smem:$0x3FB9] =	sst s0  }
0x18: {  	s0 =	sld [smem:$0x3F9C];
	_ =	swait.ge [sflag:s4], $0x0  }
0x19: {  	s7 =	sld [smem:$0x3F9D]  }
0x1a: {  	s8 =	sadd.s32 $0xFFFFE003, lr  }
0x1b: {  	s9 =	sadd.s32 $0xFFFFFEF7, lr;
	s5 =	simm.s32 $0xFFFFFFFF;
	p2 =	slt.u32 s8, $0xFFFFF086  }
0x1c: {  	p1 =	slt.u32 s9, $0xF7A;
	s5 =	simm.s32 @!p2 $0x0  }
0x1d: {  	s5 =	simm.s32 @p1 $0x1;
	p0 =	seq.s32 s7, s2  }
0x1e: {  	s7 =	smul.u32 @!p0 $0xF7A, s2;
	p2 =	seq.s32 @!p0 s5, $0x0  }
0x1f: {  	s9 =	smul.u32 $0xF7A, s1;
	s8 =	simm.s32 @!p0 $0x1BF5;
	p2 =	por !p2, p0  }
0x20: {  	[sflag:s8] =	ssyncset.s32 @!p0 $0xFFFFF086;
	s6 =	sadd.s32 @!p0 s3, s7;
	s7 =	simm.s32 @!p0 $0x108  }
0x21: {  	s3 =	sadd.s32 s3, s9;
	s6 =	sadd.s32 @!p0 $0x88, s6;
	s7 =	simm.s32 @p2 $0x1082  }
0x22: {  	[simem:s7], [sflag:s8] =	dma.local @!p0 [hbm:s6], $0xF7A  }
0x23: {  	s9 =	sor.u32 $0xD0000000, s2;
	s6 =	simm.s32 $0x108;
	_ =	swait.ge @!p0 [sflag:s8], $0x0  }
0x24: {  	s3 =	sadd.s32 $0x88, s3;
	s6 =	simm.s32 @!p1 $0x1082;
	[sflag:s4] =	ssyncset.s32 $0xFFFFF086  }
0x25: {  	[simem:s6], [sflag:s4] =	dma.local [hbm:s3], $0xF7A  }
0x26: {  	[smem:$0x3F9D] =	sst s1;
	(tag) =	ssettag s2;
	_ =	strace s9  }
0x27: {  	s1 =	sld [smem:$0x3FAD]  }
0x28: {  	s2 =	sld [smem:$0x3FAE]  }
0x29: {  	s4 =	sld [smem:$0x3FB0]  }
0x2a: {  	p0 =	seq.s32 s5, $0x0;
	s5 =	sld [smem:$0x3FB1]  }
0x2b: {  	s6 =	sld [smem:$0x3FB2]  }
0x2c: {  	s7 =	sld [smem:$0x3FB3]  }
0x2d: {  	s3 =	simm.s32 $0x108;
	s8 =	sld [smem:$0x3FB4]  }
0x2e: {  	s3 =	simm.s32 @!p0 $0x1082;
	s9 =	sld [smem:$0x3FB5]  }
0x2f: {  	lr =	sadd.s32 s0, s3;
	s0 =	sld [smem:$0x3FAC]  }
0x30: {  	s3 =	sld [smem:$0x3FAF]  }
0x31: {  	[smem:$0x3FB8] =	sst s10  }
0x32: {  	s10 =	sld [smem:$0x3FB6];
	_ =	sdelay $0x3  }
0x33: {  	p0 =	seq.s32 s10, $0x1;
	s10 =	sld [smem:$0x3FB8];
	_ =	sdelay $0x3  }
0x34: {  	[smem:$0x3FB8] =	sst s10  }
0x35: {  	s10 =	sld [smem:$0x3FB7];
	_ =	sdelay $0x3  }
0x36: {  	p1 =	seq.s32 s10, $0x1;
	s10 =	sld [smem:$0x3FB8];
	_ =	sdelay $0x3  }
0x37: {  	[smem:$0x3FB8] =	sst s10  }
0x38: {  	s10 =	sld [smem:$0x3FB9]  }
0x39: {  	_ = 	snop;
	(pc) =	sbr.ind lr, $3  }
0x3a: {  	_ = 	snop  }
0x3b: {  	_ = 	snop  }
0x3c: {  	p2 =	seq.s32 s10, $0x1;
	s10 =	sld [smem:$0x3FB8]  }
0x3d: {  	_ =	shalt  }
0x3e: {  	_ =	shalt  }
0x3f: {  	_ =	shalt  }
0x40: {  	_ =	shalt  }
0x41: {  	_ =	shalt  }
0x42: {  	_ =	shalt  }
0x43: {  	_ =	shalt  }
0x44: {  	_ =	shalt  }
0x45: {  	_ =	shalt  }
0x46: {  	_ =	shalt  }
0x47: {  	_ =	shalt  }
0x48: {  	_ =	shalt  }
0x49: {  	_ =	shalt  }
0x4a: {  	_ =	shalt  }
0x4b: {  	_ =	shalt  }
0x4c: {  	_ =	shalt  }
0x4d: {  	_ =	shalt  }
0x4e: {  	_ =	shalt  }
0x4f: {  	_ =	shalt  }
0x50: {  	_ =	shalt  }
0x51: {  	_ =	shalt  }
0x52: {  	_ =	shalt  }
0x53: {  	_ =	shalt  }
0x54: {  	_ =	shalt  }
0x55: {  	_ =	shalt  }
0x56: {  	_ =	shalt  }
0x57: {  	_ =	shalt  }
0x58: {  	_ =	shalt  }
0x59: {  	_ =	shalt  }
0x5a: {  	_ =	shalt  }
0x5b: {  	_ =	shalt  }
0x5c: {  	_ =	shalt  }
0x5d: {  	_ =	shalt  }
0x5e: {  	_ =	shalt  }
0x5f: {  	_ =	shalt  }
0x60: {  	_ =	shalt  }
0x61: {  	_ =	shalt  }
0x62: {  	_ =	shalt  }
0x63: {  	_ =	shalt  }
0x64: {  	_ =	shalt  }
0x65: {  	_ =	shalt  }
0x66: {  	_ =	shalt  }
0x67: {  	_ =	shalt  }
0x68: {  	_ =	shalt  }
0x69: {  	_ =	shalt  }
0x6a: {  	_ =	shalt  }
0x6b: {  	_ =	shalt  }
0x6c: {  	_ =	shalt  }
0x6d: {  	_ =	shalt  }
0x6e: {  	_ =	shalt  }
0x6f: {  	_ =	shalt  }
0x70: {  	_ =	shalt  }
0x71: {  	_ =	shalt  }
0x72: {  	_ =	shalt  }
0x73: {  	_ =	shalt  }
0x74: {  	_ =	shalt  }
0x75: {  	_ =	shalt  }
0x76: {  	_ =	shalt  }
0x77: {  	_ =	shalt  }
0x78: {  	_ =	shalt  }
0x79: {  	_ =	shalt  }
0x7a: {  	_ =	shalt  }
0x7b: {  	_ =	shalt  }
0x7c: {  	_ =	shalt  }
0x7d: {  	_ =	shalt  }
0x7e: {  	_ =	shalt  }
0x7f: {  	_ =	shalt  }
0x80: {  	_ =	shalt  }
0x81: {  	_ =	shalt  }
0x82: {  	_ =	shalt  }
0x83: {  	_ =	shalt  }
0x84: {  	_ =	shalt  }
0x85: {  	_ =	shalt  }
0x86: {  	_ =	shalt  }
0x87: {  	_ =	shalt  }
.Lfunc_end0:
.L_simem_size_0:
called_computation.1_lowered:
.L_overlay_start_0:
0x88: {  	s2 =	sld [smem:$0x3FD9]  }
0x89: {  	s3 =	sld [smem:$0x3FFE];
	_ =	sdelay $0x1  }
0x8a: {  	s1 =	srdreg.scid  }
0x8b: {  	s0 =	sand.u32 $0x1, s1  }
0x8c: {  	s16 =	sshll.u32 s0, $0xA;
	s2 =	sadd.s32 s3, s2  }
0x8d: {  	s2 =	sadd.s32 s2, s16  }
0x8e: {  	[smem:$0x3FC4] =	sst s2  }
0x8f: {  	_ = 	snop  }
0x90: {  	(tm) =	ssettm $0x1  }
0x91: {  	s17 =	sld [smem:$0x3FFB];
	_ =	sdelay $0x3  }
0x92: {  	_ =	strace s17  }
0x93: {  	s2 =	sld [smem:$0x3FFC];
	_ =	sdelay $0x3  }
0x94: {  	_ =	strace s2  }
0x95: {  	s2 =	sld [smem:$0x3FFD];
	_ =	sdelay $0x3  }
0x96: {  	_ =	strace s2  }
0x97: {  	_ =	strace $0x8FFFFFFF  }
0x98: {  	s18 =	sld [smem:$0x3FDB];
	_ =	sdelay $0x1  }
0x99: {  	s19 =	simm.s32 $_scs_section_size  }
0x9a: {  	s4 =	simm.s32 $_size__tile_overlayer_lowered;
	s5 =	simm.s32 $_tile_overlayer_lowered  }
0x9b: {  	s22 =	simm.s32 $0x1BFF;
	s21 =	sshll.u32 s5, $0x1;
	s2 =	sadd.s32 s19, s18  }
0x9c: {  	s6 =	simm.s32 $0x0;
	s20 =	sshll.u32 s4, $0x1;
	s4 =	sadd.s32 s21, s2  }
0x9d: {  	[timem:s6], [sflag:s22] =	dma.local [hbm:s4], s20  }
0x9e: {  	_ =	swait.ge [sflag:s22], s20  }
0x9f: {  	s3 =	ssub.s32 $0x0, s20;
	[sflag:s22] =	ssyncset.done $0x0  }
0xa0: {  	[sflag:s22] =	ssyncadd.s32 s3;
	_ =	sdelay $0x1  }
0xa1: {  	s23 =	simm.s32 $0x1B8B  }
0xa2: {  	_ =	swait.ge [sflag:s23], $0x1  }
0xa3: {  	[sflag:s23] =	ssyncset.done $0x0  }
0xa4: {  	s25 =	simm.s32 $0x1B8E;
	s24 =	sld [smem:$0x3FFE];
	[sflag:s23] =	ssyncadd.s32 $0xFFFFFFFF  }
0xa5: {  	s26 =	simm.s32 $execute0_lowered;
	[smem:$0x3FD2] =	sst s25  }
0xa6: {  	s4 =	sshll.u32 s26, $0x1;
	_ =	strace $0x80000049;
	[dreg:$0x1] =	wrdreg $0xFFFFFFFF  }
0xa7: {  	s28 =	simm.s32 $_size_execute0_lowered;
	s2 =	sadd.s32 s2, s4;
	[dreg:$0x0] =	wrdreg $0x0  }
0xa8: {  	s4 =	sshll.u32 s28, $0x1;
	[dreg:$0x2] =	wrdreg s2  }
0xa9: {  	[dreg:$0x3] =	wrdreg s4  }
0xaa: {  	[dreg:$0x4] =	wrdreg $0xC0  }
0xab: {  	_ =	task [dreg:s6], $0x5FFFF  }
0xac: {  	[dreg:$0x1] =	wrdreg $0xFFFFFFFF  }
0xad: {  	[dreg:$0x0] =	wrdreg $0x60  }
0xae: {  	[dreg:$0x2] =	wrdreg s24  }
0xaf: {  	[dreg:$0x3] =	wrdreg $0x61000  }
0xb0: {  	[dreg:$0x4] =	wrdreg $0x9  }
0xb1: {  	_ =	task.clear_ibuf [dreg:s6], $0x5FFFF;
	_ =	strace $0x90000049  }
0xb2: {  	s29 =	simm.s32 $0x9;
	_ =	strace $0x8000004B  }
0xb3: {  	_ =	swait.ge [sflag:s29], $0x1  }
0xb4: {  	[sflag:s29] =	ssyncadd.s32 $0xFFFFFFFF  }
0xb5: {  	_ =	strace $0x9000004B  }
0xb6: {  	_ =	sfence  }
0xb7: {  	s30 =	sld [smem:$0x0];
	_ =	sdelay $0x2  }
0xb8: {  	s31 =	sshll.u32 s1, $0xD;
	s1 =	sshrl.u32 s1, $0x2  }
0xb9: {  	s3 =	sand.u32 $0x4000, s31;
	s1 =	sadd.s32 s1, s30  }
0xba: {  	s0 =	sor.u32 s3, s0;
	s1 =	sshll.u32 s1, $0x11  }
0xbb: {  	s0 =	sor.u32 s1, s0  }
0xbc: {  	s0 =	sadd.s32 $0x8F2B, s0  }
0xbd: {  	[sflag:s0] =	ssyncadd.remote.s32 $0x1  }
0xbe: {  	_ =	sfence.sel $0xFFFF  }
0xbf: {  	[dreg:$0x0] =	wrdreg $0xFFFFFFFF;
	(pc) =	sbr.abs _section_cstart, $3  }
0xc0: {  	[dreg:$0x1] =	wrdreg $0xFFFFFFFF  }
0xc1: {  	_ =	task.clear_ibuf [dreg:s6], $0x2FFFF;
	_ =	strace $0x9FFFFFFF  }
0xc2: {  	(tm) =	ssettm $0x7FFFFFFF  }
0xc3: {  	_ =	shalt  }
tec
execute0_lowered:
.L_overlay_start_1:
0x0: {  	(tag) =	ssettag $0x1  }
0x1: {  	s5 =	rddreg [dreg:$0x0];
	s0 =	srdreg.scid  }
0x2: {  	s1 =	rddreg [dreg:$0x1];
	s3 =	simm.s32 $0x0;
	s2 =	stileid.u32  }
0x3: {  	s19 =	simm.s32 $0x4100;
	s20 =	simm.s32 $0x2;
	s21 =	simm.s32 $0x80  }
0x4: {  	s22 =	simm.s32 $0x100;
	s23 =	simm.s32 $0x1;
	s9 =	smul.u32 $0x14000, s2  }
0x5: {  	s6 =	sand.u32 $0x1, s0;
	s0 =	rddreg [dreg:$0x2];
	s10 =	smul.u32 $0x50000, s2  }
0x6: {  	s24 =	simm.s32 $0x0;
	[smem:$0x7FF] =	sst s3;
	s7 =	smul.u32 $0x4F00, s6  }
0x7: {  	s4 =	sadd.s32 $0x15E00, s5;
	s8 =	smul.u32 $0x140000, s6;
	s6 =	ssub.s32 $0x2, s6  }
0x8: {  	s17 =	smul.u32 $0x4F0, s2;
	_ =	strace $0x8000004A;
	s30 =	sshrl.u32 s6, $0x1  }
0x9: {  	s31 =	sshrl.u32 s10, $0x2;
	s16 =	sadd.s32 s7, s5;
	s29 =	sadd.s32 s9, s8  }
0xa: {  	s8 =	ssub.s32 s6, s30;
	s7 =	sshrl.u32 s29, $0x3;
	s18 =	sadd.s32 s17, s16  }
0xb: {  	s7 =	sadd.s32 s7, s5;
	s5 =	sadd.s32 s31, s1;
	s17 =	sadd.s32 $0x2200, s18  }
0xc: {  	s18 =	sadd.s32 $0xC000, s18;
	s6 =	sadd.s32 $0x3DE00, s7;
	s7 =	smax.u32 s8, $0x1  }
0xd: {  	s8 =	sadd.s32 $0x2000, s5;
	s9 =	sadd.s32 $0x4000, s5;
	s10 =	sadd.s32 $0x6000, s5  }
0xe: {  	s11 =	sadd.s32 $0x8000, s5;
	s12 =	sadd.s32 $0xA000, s5;
	s13 =	sadd.s32 $0xC000, s5  }
0xf: {  	v0 =	vimm.f32 $0.0e+00;
	s14 =	sadd.s32 $0xE000, s5;
	s15 =	sadd.s32 $0x10000, s5;
	s16 =	sadd.s32 $0x12000, s5  }
.LBB2_1:
0x10: {  	s25 =	sand.u32 $0x7E00, s3  }
0x11: {  	s26 =	sand.u32 $0x70, s3;
	s28 =	sshrl.u32 s25, $0x2  }
0x12: {  	s25 =	simm.s32 $0x40;
	s28 =	sor.u32 s26, s28;
	s26 =	simm.s32 $0x0  }
.LBB2_2:
0x13: {  	p0 =	sne.s32 s25, $0x7FC0  }
0x14: {  	[tilespmem:s28+$0x4100] =	vst v0;
	s26 =	sadd.s32 $0x10, s26;
	s28 =	smov.u32 s25;
	s25 =	sadd.s32 $0x40, s25  }
.Ltmp0:
0x15: {  	(pc) =	sbr.rel @p0 .LBB2_2-.Ltmp0, $4  }
0x16: {  	_ = 	snop  }
0x17: {  	s28 =	sand.u32 $0x7E00, s28  }
0x18: {  	s29 =	sand.u32 $0x70, s26;
	s28 =	sshrl.u32 s28, $0x2  }
0x19: {  	s28 =	sor.u32 s29, s28  }
0x1a: {  	[tilespmem:s28+$0x4100] =	vst v0  }
0x1b: {  	[spmem:s5] =	stream.linear.scatter [tilespmem:s19], [sflag:$0x2], $0x2000, $0x38;
	[tilespmem:$0x1A100] =	vst v63  }
0x1c: {  	_ =	swait.ge [sflag:s20], $0x2000  }
0x1d: {  	[sflag:s20] =	ssyncset.done $0x0  }
0x1e: {  	[sflag:s20] =	ssyncadd.s32 $0xFFFFE000  }
0x1f: {  	[spmem:s8] =	stream.linear.scatter [tilespmem:s19], [sflag:$0x2], $0x2000, $0x38;
	[tilespmem:$0x1A100] =	vst v63  }
0x20: {  	_ =	swait.ge [sflag:s20], $0x2000  }
0x21: {  	[sflag:s20] =	ssyncset.done $0x0  }
0x22: {  	[sflag:s20] =	ssyncadd.s32 $0xFFFFE000  }
0x23: {  	[spmem:s9] =	stream.linear.scatter [tilespmem:s19], [sflag:$0x2], $0x2000, $0x38;
	[tilespmem:$0x1A100] =	vst v63  }
0x24: {  	_ =	swait.ge [sflag:s20], $0x2000  }
0x25: {  	[sflag:s20] =	ssyncset.done $0x0  }
0x26: {  	[sflag:s20] =	ssyncadd.s32 $0xFFFFE000  }
0x27: {  	[spmem:s10] =	stream.linear.scatter [tilespmem:s19], [sflag:$0x2], $0x2000, $0x38;
	[tilespmem:$0x1A100] =	vst v63  }
0x28: {  	_ =	swait.ge [sflag:s20], $0x2000  }
0x29: {  	[sflag:s20] =	ssyncset.done $0x0  }
0x2a: {  	[sflag:s20] =	ssyncadd.s32 $0xFFFFE000  }
0x2b: {  	[spmem:s11] =	stream.linear.scatter [tilespmem:s19], [sflag:$0x2], $0x2000, $0x38;
	[tilespmem:$0x1A100] =	vst v63  }
0x2c: {  	_ =	swait.ge [sflag:s20], $0x2000  }
0x2d: {  	[sflag:s20] =	ssyncset.done $0x0  }
0x2e: {  	[sflag:s20] =	ssyncadd.s32 $0xFFFFE000  }
0x2f: {  	[spmem:s12] =	stream.linear.scatter [tilespmem:s19], [sflag:$0x2], $0x2000, $0x38;
	[tilespmem:$0x1A100] =	vst v63  }
0x30: {  	_ =	swait.ge [sflag:s20], $0x2000  }
0x31: {  	[sflag:s20] =	ssyncset.done $0x0  }
0x32: {  	[sflag:s20] =	ssyncadd.s32 $0xFFFFE000  }
0x33: {  	[spmem:s13] =	stream.linear.scatter [tilespmem:s19], [sflag:$0x2], $0x2000, $0x38;
	[tilespmem:$0x1A100] =	vst v63  }
0x34: {  	_ =	swait.ge [sflag:s20], $0x2000  }
0x35: {  	[sflag:s20] =	ssyncset.done $0x0  }
0x36: {  	[sflag:s20] =	ssyncadd.s32 $0xFFFFE000  }
0x37: {  	[spmem:s14] =	stream.linear.scatter [tilespmem:s19], [sflag:$0x2], $0x2000, $0x38;
	[tilespmem:$0x1A100] =	vst v63  }
0x38: {  	_ =	swait.ge [sflag:s20], $0x2000  }
0x39: {  	[sflag:s20] =	ssyncset.done $0x0  }
0x3a: {  	[sflag:s20] =	ssyncadd.s32 $0xFFFFE000  }
0x3b: {  	[spmem:s15] =	stream.linear.scatter [tilespmem:s19], [sflag:$0x2], $0x2000, $0x38;
	[tilespmem:$0x1A100] =	vst v63  }
0x3c: {  	_ =	swait.ge [sflag:s20], $0x2000  }
0x3d: {  	[sflag:s20] =	ssyncset.done $0x0  }
0x3e: {  	[sflag:s20] =	ssyncadd.s32 $0xFFFFE000  }
0x3f: {  	[spmem:s16] =	stream.linear.scatter [tilespmem:s19], [sflag:$0x2], $0x2000, $0x38;
	[tilespmem:$0x1A100] =	vst v63  }
0x40: {  	_ =	swait.ge [sflag:s20], $0x2000  }
0x41: {  	[sflag:s20] =	ssyncset.done $0x0  }
0x42: {  	[sflag:s20] =	ssyncadd.s32 $0xFFFFE000  }
0x43: {  	s25 =	sadd.s32 $0x0, s18;
	[bflag:$0x0] =	sbarrier.arrive $0xFFFF  }
0x44: {  	[tilespmem:s3], [sflag:$0x2] =	stream.linear.gather [hbm4b:s25+s3], $0x80, $0x38;
	[tilespmem:$0x1A100] =	vst v63  }
0x45: {  	_ =	swait.ge [sflag:s20], $0x80  }
0x46: {  	[sflag:s20] =	ssyncset.done $0x0  }
0x47: {  	s31 =	sadd.s32 $0x0, s17;
	[sflag:s20] =	ssyncadd.s32 $0xFFFFFF80  }
0x48: {  	[tilespmem:s21], [sflag:$0x2] =	stream.linear.gather [hbm4b:s31+s3], $0x80, $0x38;
	[tilespmem:$0x1A100] =	vst v63  }
0x49: {  	_ =	swait.ge [sflag:s20], $0x80  }
0x4a: {  	[sflag:s20] =	ssyncset.done $0x0  }
0x4b: {  	[sflag:s20] =	ssyncadd.s32 $0xFFFFFF80  }
0x4c: {  	[tilespmem:s22], [sflag:$0x1] =	stream.indirect.gather [hbm4b:s4+s21], $0x80, s3, s21, $0xb8;
	[tilespmem:$0x1A100] =	vst v63  }
0x4d: {  	_ =	swait.ge [sflag:s23], $0x4000  }
0x4e: {  	[sflag:s23] =	ssyncset.done $0x0  }
0x4f: {  	[sflag:s23] =	ssyncadd.s32 $0xFFFFC000  }
0x50: {  	[spmem:s1] =	stream.indirect.scatter.add.f32 [tilespmem:s22], [sflag:$0x2], $0x80, s21, s21, $0xb8;
	[tilespmem:$0x1A100] =	vst v63  }
0x51: {  	_ =	swait.ge [sflag:s20], $0x4000  }
0x52: {  	s26 =	simm.s32 $0x20;
	s25 =	simm.s32 $0x10;
	[sflag:s20] =	ssyncset.done $0x0  }
.LBB2_4:
0x53: {  	s28 =	sadd.s32 s25, s18  }
0x54: {  	[sflag:s20] =	ssyncadd.s32 $0xFFFFC000;
	s29 =	smov.u32 s26;
	s30 =	sadd.s32 $0x10, s26  }
0x55: {  	[tilespmem:s3], [sflag:$0x2] =	stream.linear.gather [hbm4b:s28+s3], $0x80, $0x38;
	[tilespmem:$0x1A100] =	vst v63  }
0x56: {  	p0 =	sne.s32 s26, $0x4E0;
	_ =	swait.ge [sflag:s20], $0x80  }
0x57: {  	[sflag:s20] =	ssyncset.done $0x0  }
0x58: {  	s26 =	sadd.s32 s25, s17;
	s25 =	smov.u32 s29;
	[sflag:s20] =	ssyncadd.s32 $0xFFFFFF80  }
0x59: {  	[tilespmem:s21], [sflag:$0x2] =	stream.linear.gather [hbm4b:s26+s3], $0x80, $0x38;
	[tilespmem:$0x1A100] =	vst v63  }
0x5a: {  	_ =	swait.ge [sflag:s20], $0x80  }
0x5b: {  	[sflag:s20] =	ssyncset.done $0x0  }
0x5c: {  	[sflag:s20] =	ssyncadd.s32 $0xFFFFFF80  }
0x5d: {  	[tilespmem:s22], [sflag:$0x1] =	stream.indirect.gather [hbm4b:s4+s21], $0x80, s3, s21, $0xb8;
	[tilespmem:$0x1A100] =	vst v63  }
0x5e: {  	_ =	swait.ge [sflag:s23], $0x4000  }
.Ltmp1:
0x5f: {  	[sflag:s23] =	ssyncset.done $0x0;
	(pc) =	sbr.rel @p0 .LBB2_4-.Ltmp1, $4  }
0x60: {  	[sflag:s23] =	ssyncadd.s32 $0xFFFFC000  }
0x61: {  	[spmem:s1] =	stream.indirect.scatter.add.f32 [tilespmem:s22], [sflag:$0x2], $0x80, s21, s21, $0xb8;
	[tilespmem:$0x1A100] =	vst v63  }
0x62: {  	_ =	swait.ge [sflag:s20], $0x4000  }
0x63: {  	s26 =	smov.u32 s30;
	[sflag:s20] =	ssyncset.done $0x0  }
0x64: {  	s26 =	sadd.s32 s25, s18;
	[sflag:s20] =	ssyncadd.s32 $0xFFFFC000  }
0x65: {  	[tilespmem:s3], [sflag:$0x2] =	stream.linear.gather [hbm4b:s26+s3], $0x80, $0x38;
	[tilespmem:$0x1A100] =	vst v63  }
0x66: {  	_ =	swait.ge [sflag:s20], $0x80  }
0x67: {  	[sflag:s20] =	ssyncset.done $0x0  }
0x68: {  	s29 =	sadd.s32 s25, s17;
	[sflag:s20] =	ssyncadd.s32 $0xFFFFFF80  }
0x69: {  	[tilespmem:s21], [sflag:$0x2] =	stream.linear.gather [hbm4b:s29+s3], $0x80, $0x38;
	[tilespmem:$0x1A100] =	vst v63  }
0x6a: {  	_ =	swait.ge [sflag:s20], $0x80  }
0x6b: {  	[sflag:s20] =	ssyncset.done $0x0  }
0x6c: {  	[sflag:s20] =	ssyncadd.s32 $0xFFFFFF80  }
0x6d: {  	[tilespmem:s22], [sflag:$0x1] =	stream.indirect.gather [hbm4b:s4+s21], $0x80, s3, s21, $0xb8;
	[tilespmem:$0x1A100] =	vst v63  }
0x6e: {  	_ =	swait.ge [sflag:s23], $0x4000  }
0x6f: {  	[sflag:s23] =	ssyncset.done $0x0  }
0x70: {  	[sflag:s23] =	ssyncadd.s32 $0xFFFFC000  }
0x71: {  	[spmem:s1] =	stream.indirect.scatter.add.f32 [tilespmem:s22], [sflag:$0x2], $0x80, s21, s21, $0xb8;
	[tilespmem:$0x1A100] =	vst v63  }
0x72: {  	_ =	swait.ge [sflag:s20], $0x4000  }
0x73: {  	s30 =	sshll.u32 s2, $0x6;
	s24 =	sadd.s32 $0x1, s24;
	[sflag:s20] =	ssyncset.done $0x0  }
0x74: {  	s31 =	sshrl.u32 s5, $0x3;
	p0 =	sne.s32 s24, s7;
	[sflag:s20] =	ssyncadd.s32 $0xFFFFC000  }
.Ltmp2:
0x75: {  	s25 =	sor.u32 $0x1C02, s30;
	[bflag:$0x0] =	sbarrier.arrive $0xFFFF;
	(pc) =	sbr.rel @p0 .LBB2_1-.Ltmp2, $4  }
0x76: {  	[hbm:s6], [sflag:s25] =	dma.local [spmem:s31], $0x2800  }
0x77: {  	_ =	swait.ge [sflag:s20], $0x2800  }
0x78: {  	[sflag:s20] =	ssyncset.done $0x0  }
0x79: {  	[sflag:s20] =	ssyncadd.s32 $0xFFFFD800  }
0x7a: {  	_ =	sfence.sel $0x180000  }
0x7b: {  	[bflag:$0x0] =	sbarrier.arrive $0xFFFF  }
0x7c: {  	p0 =	sne.s32 s2, $0x0;
	_ =	strace $0x9000004A  }
0x7d: {  	s0 =	sadd.s32 @!p0 $0x100000, s0;
	[bflag:$0x2] =	sbarrier.arrive $0xFFFF  }
0x7e: {  	[sflag:s0] =	ssyncadd.tile.s32 @!p0 $0x1;
	_ =	shalt  }
.Lfunc_end2:
_tile_overlayer_lowered:
.L_overlay_start_2:
0x7f: {  	(tag) =	ssettag $0x2  }
0x80: {  	s0 =	rddreg [dreg:$0x0];
	s2 =	stileid.u32  }
0x81: {  	s1 =	rddreg [dreg:$0x1];
	p0 =	sne.s32 s2, $0x0  }
0x82: {  	s3 =	rddreg [dreg:$0x2];
	[bflag:$0x3] =	sbarrier.arrive $0xFFFF;
	s2 =	simm.s32 @!p0 $0x1C02  }
0x83: {  	[timem:s3], [sflag:s2] =	dma.local @!p0 [hbm:s0], s1  }
0x84: {  	s0 =	simm.s32 @!p0 $0x2  }
0x85: {  	_ =	swait.ge @!p0 [sflag:s0], s1  }
0x86: {  	s1 =	ssub.s32 @!p0 $0x0, s1;
	[sflag:s0] =	ssyncset.done @!p0 $0x0  }
0x87: {  	[sflag:s0] =	ssyncadd.s32 @!p0 s1  }
0x88: {  	[bflag:$0x3] =	sbarrier.arrive $0xFFFF  }
0x89: {  	_ =	shalt  }

// kernel: kernel.14.cloned.1.call-start
scs
__scs_entry_jumppad:
0x0: {  	(pc) =	sbr.rel $0x88, $3  }
0x1: {  	(tag) =	ssettag $0x0;
	lr =	simm.s32 $0x1  }
0x2: {  	[smem:$0x3F9D] =	sst lr;
	_ =	strace $0xD0000000  }
0x3: {  	_ = 	snop  }
0x4: {  	_ = 	snop  }
0x5: {  	_ = 	snop  }
0x6: {  	_ = 	snop  }
0x7: {  	_ = 	snop  }
__scs_overlays_trampoline_lowered:
0x8: {  	[smem:$0x3FAC] =	sst s0  }
0x9: {  	[smem:$0x3FAD] =	sst s1  }
0xa: {  	[smem:$0x3FAE] =	sst s2  }
0xb: {  	[smem:$0x3FAF] =	sst s3  }
0xc: {  	[smem:$0x3FB0] =	sst s4  }
0xd: {  	[smem:$0x3FB1] =	sst s5  }
0xe: {  	[smem:$0x3FB2] =	sst s6  }
0xf: {  	[smem:$0x3FB3] =	sst s7  }
0x10: {  	[smem:$0x3FB4] =	sst s8  }
0x11: {  	[smem:$0x3FB5] =	sst s9;
	s0 =	simm.s32 @!p0 $0x0  }
0x12: {  	s1 =	sld [smem:$0x3F9B];
	s0 =	simm.s32 @p0 $0x1  }
0x13: {  	[smem:$0x3FB6] =	sst s0;
	s0 =	simm.s32 @!p1 $0x0  }
0x14: {  	s2 =	sld [smem:$0x3F9A];
	s0 =	simm.s32 @p1 $0x1  }
0x15: {  	[smem:$0x3FB7] =	sst s0;
	s0 =	simm.s32 @!p2 $0x0  }
0x16: {  	s3 =	sld [smem:$0x3FDB];
	s0 =	simm.s32 @p2 $0x1  }
0x17: {  	s4 =	simm.s32 $0x1BF5;
	[smem:$0x3FB9] =	sst s0  }
0x18: {  	s0 =	sld [smem:$0x3F9C];
	_ =	swait.ge [sflag:s4], $0x0  }
0x19: {  	s7 =	sld [smem:$0x3F9D]  }
0x1a: {  	s8 =	sadd.s32 $0xFFFFE003, lr  }
0x1b: {  	s9 =	sadd.s32 $0xFFFFFEF7, lr;
	s5 =	simm.s32 $0xFFFFFFFF;
	p2 =	slt.u32 s8, $0xFFFFF086  }
0x1c: {  	p1 =	slt.u32 s9, $0xF7A;
	s5 =	simm.s32 @!p2 $0x0  }
0x1d: {  	s5 =	simm.s32 @p1 $0x1;
	p0 =	seq.s32 s7, s2  }
0x1e: {  	s7 =	smul.u32 @!p0 $0xF7A, s2;
	p2 =	seq.s32 @!p0 s5, $0x0  }
0x1f: {  	s9 =	smul.u32 $0xF7A, s1;
	s8 =	simm.s32 @!p0 $0x1BF5;
	p2 =	por !p2, p0  }
0x20: {  	[sflag:s8] =	ssyncset.s32 @!p0 $0xFFFFF086;
	s6 =	sadd.s32 @!p0 s3, s7;
	s7 =	simm.s32 @!p0 $0x108  }
0x21: {  	s3 =	sadd.s32 s3, s9;
	s6 =	sadd.s32 @!p0 $0x88, s6;
	s7 =	simm.s32 @p2 $0x1082  }
0x22: {  	[simem:s7], [sflag:s8] =	dma.local @!p0 [hbm:s6], $0xF7A  }
0x23: {  	s9 =	sor.u32 $0xD0000000, s2;
	s6 =	simm.s32 $0x108;
	_ =	swait.ge @!p0 [sflag:s8], $0x0  }
0x24: {  	s3 =	sadd.s32 $0x88, s3;
	s6 =	simm.s32 @!p1 $0x1082;
	[sflag:s4] =	ssyncset.s32 $0xFFFFF086  }
0x25: {  	[simem:s6], [sflag:s4] =	dma.local [hbm:s3], $0xF7A  }
0x26: {  	[smem:$0x3F9D] =	sst s1;
	(tag) =	ssettag s2;
	_ =	strace s9  }
0x27: {  	s1 =	sld [smem:$0x3FAD]  }
0x28: {  	s2 =	sld [smem:$0x3FAE]  }
0x29: {  	s4 =	sld [smem:$0x3FB0]  }
0x2a: {  	p0 =	seq.s32 s5, $0x0;
	s5 =	sld [smem:$0x3FB1]  }
0x2b: {  	s6 =	sld [smem:$0x3FB2]  }
0x2c: {  	s7 =	sld [smem:$0x3FB3]  }
0x2d: {  	s3 =	simm.s32 $0x108;
	s8 =	sld [smem:$0x3FB4]  }
0x2e: {  	s3 =	simm.s32 @!p0 $0x1082;
	s9 =	sld [smem:$0x3FB5]  }
0x2f: {  	lr =	sadd.s32 s0, s3;
	s0 =	sld [smem:$0x3FAC]  }
0x30: {  	s3 =	sld [smem:$0x3FAF]  }
0x31: {  	[smem:$0x3FB8] =	sst s10  }
0x32: {  	s10 =	sld [smem:$0x3FB6];
	_ =	sdelay $0x3  }
0x33: {  	p0 =	seq.s32 s10, $0x1;
	s10 =	sld [smem:$0x3FB8];
	_ =	sdelay $0x3  }
0x34: {  	[smem:$0x3FB8] =	sst s10  }
0x35: {  	s10 =	sld [smem:$0x3FB7];
	_ =	sdelay $0x3  }
0x36: {  	p1 =	seq.s32 s10, $0x1;
	s10 =	sld [smem:$0x3FB8];
	_ =	sdelay $0x3  }
0x37: {  	[smem:$0x3FB8] =	sst s10  }
0x38: {  	s10 =	sld [smem:$0x3FB9]  }
0x39: {  	_ = 	snop;
	(pc) =	sbr.ind lr, $3  }
0x3a: {  	_ = 	snop  }
0x3b: {  	_ = 	snop  }
0x3c: {  	p2 =	seq.s32 s10, $0x1;
	s10 =	sld [smem:$0x3FB8]  }
0x3d: {  	_ =	shalt  }
0x3e: {  	_ =	shalt  }
0x3f: {  	_ =	shalt  }
0x40: {  	_ =	shalt  }
0x41: {  	_ =	shalt  }
0x42: {  	_ =	shalt  }
0x43: {  	_ =	shalt  }
0x44: {  	_ =	shalt  }
0x45: {  	_ =	shalt  }
0x46: {  	_ =	shalt  }
0x47: {  	_ =	shalt  }
0x48: {  	_ =	shalt  }
0x49: {  	_ =	shalt  }
0x4a: {  	_ =	shalt  }
0x4b: {  	_ =	shalt  }
0x4c: {  	_ =	shalt  }
0x4d: {  	_ =	shalt  }
0x4e: {  	_ =	shalt  }
0x4f: {  	_ =	shalt  }
0x50: {  	_ =	shalt  }
0x51: {  	_ =	shalt  }
0x52: {  	_ =	shalt  }
0x53: {  	_ =	shalt  }
0x54: {  	_ =	shalt  }
0x55: {  	_ =	shalt  }
0x56: {  	_ =	shalt  }
0x57: {  	_ =	shalt  }
0x58: {  	_ =	shalt  }
0x59: {  	_ =	shalt  }
0x5a: {  	_ =	shalt  }
0x5b: {  	_ =	shalt  }
0x5c: {  	_ =	shalt  }
0x5d: {  	_ =	shalt  }
0x5e: {  	_ =	shalt  }
0x5f: {  	_ =	shalt  }
0x60: {  	_ =	shalt  }
0x61: {  	_ =	shalt  }
0x62: {  	_ =	shalt  }
0x63: {  	_ =	shalt  }
0x64: {  	_ =	shalt  }
0x65: {  	_ =	shalt  }
0x66: {  	_ =	shalt  }
0x67: {  	_ =	shalt  }
0x68: {  	_ =	shalt  }
0x69: {  	_ =	shalt  }
0x6a: {  	_ =	shalt  }
0x6b: {  	_ =	shalt  }
0x6c: {  	_ =	shalt  }
0x6d: {  	_ =	shalt  }
0x6e: {  	_ =	shalt  }
0x6f: {  	_ =	shalt  }
0x70: {  	_ =	shalt  }
0x71: {  	_ =	shalt  }
0x72: {  	_ =	shalt  }
0x73: {  	_ =	shalt  }
0x74: {  	_ =	shalt  }
0x75: {  	_ =	shalt  }
0x76: {  	_ =	shalt  }
0x77: {  	_ =	shalt  }
0x78: {  	_ =	shalt  }
0x79: {  	_ =	shalt  }
0x7a: {  	_ =	shalt  }
0x7b: {  	_ =	shalt  }
0x7c: {  	_ =	shalt  }
0x7d: {  	_ =	shalt  }
0x7e: {  	_ =	shalt  }
0x7f: {  	_ =	shalt  }
0x80: {  	_ =	shalt  }
0x81: {  	_ =	shalt  }
0x82: {  	_ =	shalt  }
0x83: {  	_ =	shalt  }
0x84: {  	_ =	shalt  }
0x85: {  	_ =	shalt  }
0x86: {  	_ =	shalt  }
0x87: {  	_ =	shalt  }
.Lfunc_end0:
.L_simem_size_0:
called_computation.2_lowered:
.L_overlay_start_0:
0x88: {  	s2 =	sld [smem:$0x3FD9]  }
0x89: {  	s3 =	sld [smem:$0x3FFE];
	_ =	sdelay $0x1  }
0x8a: {  	s1 =	srdreg.scid  }
0x8b: {  	s0 =	sand.u32 $0x1, s1  }
0x8c: {  	s16 =	sshll.u32 s0, $0xA;
	s2 =	sadd.s32 s3, s2  }
0x8d: {  	s2 =	sadd.s32 s2, s16  }
0x8e: {  	[smem:$0x3FC4] =	sst s2  }
0x8f: {  	_ = 	snop  }
0x90: {  	(tm) =	ssettm $0x1  }
0x91: {  	s17 =	sld [smem:$0x3FFB];
	_ =	sdelay $0x3  }
0x92: {  	_ =	strace s17  }
0x93: {  	s2 =	sld [smem:$0x3FFC];
	_ =	sdelay $0x3  }
0x94: {  	_ =	strace s2  }
0x95: {  	s2 =	sld [smem:$0x3FFD];
	_ =	sdelay $0x3  }
0x96: {  	_ =	strace s2  }
0x97: {  	_ =	strace $0x8FFFFFFF  }
0x98: {  	s18 =	sld [smem:$0x3FDB];
	_ =	sdelay $0x1  }
0x99: {  	s19 =	simm.s32 $_scs_section_size  }
0x9a: {  	s4 =	simm.s32 $_size__tile_overlayer_lowered;
	s5 =	simm.s32 $_tile_overlayer_lowered  }
0x9b: {  	s22 =	simm.s32 $0x1BFF;
	s21 =	sshll.u32 s5, $0x1;
	s2 =	sadd.s32 s19, s18  }
0x9c: {  	s6 =	simm.s32 $0x0;
	s20 =	sshll.u32 s4, $0x1;
	s4 =	sadd.s32 s21, s2  }
0x9d: {  	[timem:s6], [sflag:s22] =	dma.local [hbm:s4], s20  }
0x9e: {  	_ =	swait.ge [sflag:s22], s20  }
0x9f: {  	s3 =	ssub.s32 $0x0, s20;
	[sflag:s22] =	ssyncset.done $0x0  }
0xa0: {  	[sflag:s22] =	ssyncadd.s32 s3;
	_ =	sdelay $0x1  }
0xa1: {  	s23 =	simm.s32 $0x1B8B  }
0xa2: {  	_ =	swait.ge [sflag:s23], $0x1  }
0xa3: {  	[sflag:s23] =	ssyncset.done $0x0  }
0xa4: {  	s25 =	simm.s32 $0x1B8E;
	s24 =	sld [smem:$0x3FFE];
	[sflag:s23] =	ssyncadd.s32 $0xFFFFFFFF  }
0xa5: {  	s26 =	simm.s32 $execute0_lowered;
	[smem:$0x3FD2] =	sst s25  }
0xa6: {  	s4 =	sshll.u32 s26, $0x1;
	_ =	strace $0x8000004C;
	[dreg:$0x1] =	wrdreg $0xFFFFFFFF  }
0xa7: {  	s28 =	simm.s32 $_size_execute0_lowered;
	s2 =	sadd.s32 s2, s4;
	[dreg:$0x0] =	wrdreg $0x0  }
0xa8: {  	s4 =	sshll.u32 s28, $0x1;
	[dreg:$0x2] =	wrdreg s2  }
0xa9: {  	[dreg:$0x3] =	wrdreg s4  }
0xaa: {  	[dreg:$0x4] =	wrdreg $0xC0  }
0xab: {  	_ =	task [dreg:s6], $0x5FFFF  }
0xac: {  	[dreg:$0x1] =	wrdreg $0xFFFFFFFF  }
0xad: {  	[dreg:$0x0] =	wrdreg $0x60  }
0xae: {  	[dreg:$0x2] =	wrdreg s24  }
0xaf: {  	[dreg:$0x3] =	wrdreg $0x61000  }
0xb0: {  	[dreg:$0x4] =	wrdreg $0x9  }
0xb1: {  	_ =	task.clear_ibuf [dreg:s6], $0x5FFFF;
	_ =	strace $0x9000004C  }
0xb2: {  	s29 =	simm.s32 $0x9;
	_ =	strace $0x8000004E  }
0xb3: {  	_ =	swait.ge [sflag:s29], $0x1  }
0xb4: {  	[sflag:s29] =	ssyncadd.s32 $0xFFFFFFFF  }
0xb5: {  	_ =	strace $0x9000004E  }
0xb6: {  	_ =	sfence  }
0xb7: {  	s30 =	sld [smem:$0x0];
	_ =	sdelay $0x2  }
0xb8: {  	s31 =	sshll.u32 s1, $0xD;
	s1 =	sshrl.u32 s1, $0x2  }
0xb9: {  	s3 =	sand.u32 $0x4000, s31;
	s1 =	sadd.s32 s1, s30  }
0xba: {  	s0 =	sor.u32 s3, s0;
	s1 =	sshll.u32 s1, $0x11  }
0xbb: {  	s0 =	sor.u32 s1, s0  }
0xbc: {  	s0 =	sadd.s32 $0x8F2B, s0  }
0xbd: {  	[sflag:s0] =	ssyncadd.remote.s32 $0x1  }
0xbe: {  	_ =	sfence.sel $0xFFFF  }
0xbf: {  	[dreg:$0x0] =	wrdreg $0xFFFFFFFF;
	(pc) =	sbr.abs _section_cstart, $3  }
0xc0: {  	[dreg:$0x1] =	wrdreg $0xFFFFFFFF  }
0xc1: {  	_ =	task.clear_ibuf [dreg:s6], $0x2FFFF;
	_ =	strace $0x9FFFFFFF  }
0xc2: {  	(tm) =	ssettm $0x7FFFFFFF  }
0xc3: {  	_ =	shalt  }
tec
execute0_lowered:
.L_overlay_start_1:
0x0: {  	(tag) =	ssettag $0x1  }
0x1: {  	s5 =	rddreg [dreg:$0x0];
	s0 =	srdreg.scid  }
0x2: {  	s1 =	rddreg [dreg:$0x1];
	s3 =	simm.s32 $0x0;
	s2 =	stileid.u32  }
0x3: {  	s19 =	simm.s32 $0x4100;
	s20 =	simm.s32 $0x2;
	s21 =	simm.s32 $0x80  }
0x4: {  	s22 =	simm.s32 $0x100;
	s23 =	simm.s32 $0x1;
	s9 =	smul.u32 $0x14000, s2  }
0x5: {  	s6 =	sand.u32 $0x1, s0;
	s0 =	rddreg [dreg:$0x2];
	s10 =	smul.u32 $0x50000, s2  }
0x6: {  	s24 =	simm.s32 $0x0;
	[smem:$0x7FF] =	sst s3;
	s7 =	smul.u32 $0x4F00, s6  }
0x7: {  	s4 =	sadd.s32 $0x15E00, s5;
	s8 =	smul.u32 $0x140000, s6;
	s6 =	ssub.s32 $0x2, s6  }
0x8: {  	s17 =	smul.u32 $0x4F0, s2;
	_ =	strace $0x8000004D;
	s30 =	sshrl.u32 s6, $0x1  }
0x9: {  	s31 =	sshrl.u32 s10, $0x2;
	s16 =	sadd.s32 s7, s5;
	s29 =	sadd.s32 s9, s8  }
0xa: {  	s8 =	ssub.s32 s6, s30;
	s7 =	sshrl.u32 s29, $0x3;
	s18 =	sadd.s32 s17, s16  }
0xb: {  	s7 =	sadd.s32 s7, s5;
	s5 =	sadd.s32 s31, s1;
	s17 =	sadd.s32 $0x2200, s18  }
0xc: {  	s18 =	sadd.s32 $0xC000, s18;
	s6 =	sadd.s32 $0x3DE00, s7;
	s7 =	smax.u32 s8, $0x1  }
0xd: {  	s8 =	sadd.s32 $0x2000, s5;
	s9 =	sadd.s32 $0x4000, s5;
	s10 =	sadd.s32 $0x6000, s5  }
0xe: {  	s11 =	sadd.s32 $0x8000, s5;
	s12 =	sadd.s32 $0xA000, s5;
	s13 =	sadd.s32 $0xC000, s5  }
0xf: {  	v0 =	vimm.f32 $0.0e+00;
	s14 =	sadd.s32 $0xE000, s5;
	s15 =	sadd.s32 $0x10000, s5;
	s16 =	sadd.s32 $0x12000, s5  }
.LBB2_1:
0x10: {  	s25 =	sand.u32 $0x7E00, s3  }
0x11: {  	s26 =	sand.u32 $0x70, s3;
	s28 =	sshrl.u32 s25, $0x2  }
0x12: {  	s25 =	simm.s32 $0x40;
	s28 =	sor.u32 s26, s28;
	s26 =	simm.s32 $0x0  }
.LBB2_2:
0x13: {  	p0 =	sne.s32 s25, $0x7FC0  }
0x14: {  	[tilespmem:s28+$0x4100] =	vst v0;
	s26 =	sadd.s32 $0x10, s26;
	s28 =	smov.u32 s25;
	s25 =	sadd.s32 $0x40, s25  }
.Ltmp0:
0x15: {  	(pc) =	sbr.rel @p0 .LBB2_2-.Ltmp0, $4  }
0x16: {  	_ = 	snop  }
0x17: {  	s28 =	sand.u32 $0x7E00, s28  }
0x18: {  	s29 =	sand.u32 $0x70, s26;
	s28 =	sshrl.u32 s28, $0x2  }
0x19: {  	s28 =	sor.u32 s29, s28  }
0x1a: {  	[tilespmem:s28+$0x4100] =	vst v0  }
0x1b: {  	[spmem:s5] =	stream.linear.scatter [tilespmem:s19], [sflag:$0x2], $0x2000, $0x38;
	[tilespmem:$0x1A100] =	vst v63  }
0x1c: {  	_ =	swait.ge [sflag:s20], $0x2000  }
0x1d: {  	[sflag:s20] =	ssyncset.done $0x0  }
0x1e: {  	[sflag:s20] =	ssyncadd.s32 $0xFFFFE000  }
0x1f: {  	[spmem:s8] =	stream.linear.scatter [tilespmem:s19], [sflag:$0x2], $0x2000, $0x38;
	[tilespmem:$0x1A100] =	vst v63  }
0x20: {  	_ =	swait.ge [sflag:s20], $0x2000  }
0x21: {  	[sflag:s20] =	ssyncset.done $0x0  }
0x22: {  	[sflag:s20] =	ssyncadd.s32 $0xFFFFE000  }
0x23: {  	[spmem:s9] =	stream.linear.scatter [tilespmem:s19], [sflag:$0x2], $0x2000, $0x38;
	[tilespmem:$0x1A100] =	vst v63  }
0x24: {  	_ =	swait.ge [sflag:s20], $0x2000  }
0x25: {  	[sflag:s20] =	ssyncset.done $0x0  }
0x26: {  	[sflag:s20] =	ssyncadd.s32 $0xFFFFE000  }
0x27: {  	[spmem:s10] =	stream.linear.scatter [tilespmem:s19], [sflag:$0x2], $0x2000, $0x38;
	[tilespmem:$0x1A100] =	vst v63  }
0x28: {  	_ =	swait.ge [sflag:s20], $0x2000  }
0x29: {  	[sflag:s20] =	ssyncset.done $0x0  }
0x2a: {  	[sflag:s20] =	ssyncadd.s32 $0xFFFFE000  }
0x2b: {  	[spmem:s11] =	stream.linear.scatter [tilespmem:s19], [sflag:$0x2], $0x2000, $0x38;
	[tilespmem:$0x1A100] =	vst v63  }
0x2c: {  	_ =	swait.ge [sflag:s20], $0x2000  }
0x2d: {  	[sflag:s20] =	ssyncset.done $0x0  }
0x2e: {  	[sflag:s20] =	ssyncadd.s32 $0xFFFFE000  }
0x2f: {  	[spmem:s12] =	stream.linear.scatter [tilespmem:s19], [sflag:$0x2], $0x2000, $0x38;
	[tilespmem:$0x1A100] =	vst v63  }
0x30: {  	_ =	swait.ge [sflag:s20], $0x2000  }
0x31: {  	[sflag:s20] =	ssyncset.done $0x0  }
0x32: {  	[sflag:s20] =	ssyncadd.s32 $0xFFFFE000  }
0x33: {  	[spmem:s13] =	stream.linear.scatter [tilespmem:s19], [sflag:$0x2], $0x2000, $0x38;
	[tilespmem:$0x1A100] =	vst v63  }
0x34: {  	_ =	swait.ge [sflag:s20], $0x2000  }
0x35: {  	[sflag:s20] =	ssyncset.done $0x0  }
0x36: {  	[sflag:s20] =	ssyncadd.s32 $0xFFFFE000  }
0x37: {  	[spmem:s14] =	stream.linear.scatter [tilespmem:s19], [sflag:$0x2], $0x2000, $0x38;
	[tilespmem:$0x1A100] =	vst v63  }
0x38: {  	_ =	swait.ge [sflag:s20], $0x2000  }
0x39: {  	[sflag:s20] =	ssyncset.done $0x0  }
0x3a: {  	[sflag:s20] =	ssyncadd.s32 $0xFFFFE000  }
0x3b: {  	[spmem:s15] =	stream.linear.scatter [tilespmem:s19], [sflag:$0x2], $0x2000, $0x38;
	[tilespmem:$0x1A100] =	vst v63  }
0x3c: {  	_ =	swait.ge [sflag:s20], $0x2000  }
0x3d: {  	[sflag:s20] =	ssyncset.done $0x0  }
0x3e: {  	[sflag:s20] =	ssyncadd.s32 $0xFFFFE000  }
0x3f: {  	[spmem:s16] =	stream.linear.scatter [tilespmem:s19], [sflag:$0x2], $0x2000, $0x38;
	[tilespmem:$0x1A100] =	vst v63  }
0x40: {  	_ =	swait.ge [sflag:s20], $0x2000  }
0x41: {  	[sflag:s20] =	ssyncset.done $0x0  }
0x42: {  	[sflag:s20] =	ssyncadd.s32 $0xFFFFE000  }
0x43: {  	s25 =	sadd.s32 $0x0, s18;
	[bflag:$0x0] =	sbarrier.arrive $0xFFFF  }
0x44: {  	[tilespmem:s3], [sflag:$0x2] =	stream.linear.gather [hbm4b:s25+s3], $0x80, $0x38;
	[tilespmem:$0x1A100] =	vst v63  }
0x45: {  	_ =	swait.ge [sflag:s20], $0x80  }
0x46: {  	[sflag:s20] =	ssyncset.done $0x0  }
0x47: {  	s31 =	sadd.s32 $0x0, s17;
	[sflag:s20] =	ssyncadd.s32 $0xFFFFFF80  }
0x48: {  	[tilespmem:s21], [sflag:$0x2] =	stream.linear.gather [hbm4b:s31+s3], $0x80, $0x38;
	[tilespmem:$0x1A100] =	vst v63  }
0x49: {  	_ =	swait.ge [sflag:s20], $0x80  }
0x4a: {  	[sflag:s20] =	ssyncset.done $0x0  }
0x4b: {  	[sflag:s20] =	ssyncadd.s32 $0xFFFFFF80  }
0x4c: {  	[tilespmem:s22], [sflag:$0x1] =	stream.indirect.gather [hbm4b:s4+s21], $0x80, s3, s21, $0xb8;
	[tilespmem:$0x1A100] =	vst v63  }
0x4d: {  	_ =	swait.ge [sflag:s23], $0x4000  }
0x4e: {  	[sflag:s23] =	ssyncset.done $0x0  }
0x4f: {  	[sflag:s23] =	ssyncadd.s32 $0xFFFFC000  }
0x50: {  	[spmem:s1] =	stream.indirect.scatter.add.f32 [tilespmem:s22], [sflag:$0x2], $0x80, s21, s21, $0xb8;
	[tilespmem:$0x1A100] =	vst v63  }
0x51: {  	_ =	swait.ge [sflag:s20], $0x4000  }
0x52: {  	s26 =	simm.s32 $0x20;
	s25 =	simm.s32 $0x10;
	[sflag:s20] =	ssyncset.done $0x0  }
.LBB2_4:
0x53: {  	s28 =	sadd.s32 s25, s18  }
0x54: {  	[sflag:s20] =	ssyncadd.s32 $0xFFFFC000;
	s29 =	smov.u32 s26;
	s30 =	sadd.s32 $0x10, s26  }
0x55: {  	[tilespmem:s3], [sflag:$0x2] =	stream.linear.gather [hbm4b:s28+s3], $0x80, $0x38;
	[tilespmem:$0x1A100] =	vst v63  }
0x56: {  	p0 =	sne.s32 s26, $0x4E0;
	_ =	swait.ge [sflag:s20], $0x80  }
0x57: {  	[sflag:s20] =	ssyncset.done $0x0  }
0x58: {  	s26 =	sadd.s32 s25, s17;
	s25 =	smov.u32 s29;
	[sflag:s20] =	ssyncadd.s32 $0xFFFFFF80  }
0x59: {  	[tilespmem:s21], [sflag:$0x2] =	stream.linear.gather [hbm4b:s26+s3], $0x80, $0x38;
	[tilespmem:$0x1A100] =	vst v63  }
0x5a: {  	_ =	swait.ge [sflag:s20], $0x80  }
0x5b: {  	[sflag:s20] =	ssyncset.done $0x0  }
0x5c: {  	[sflag:s20] =	ssyncadd.s32 $0xFFFFFF80  }
0x5d: {  	[tilespmem:s22], [sflag:$0x1] =	stream.indirect.gather [hbm4b:s4+s21], $0x80, s3, s21, $0xb8;
	[tilespmem:$0x1A100] =	vst v63  }
0x5e: {  	_ =	swait.ge [sflag:s23], $0x4000  }
.Ltmp1:
0x5f: {  	[sflag:s23] =	ssyncset.done $0x0;
	(pc) =	sbr.rel @p0 .LBB2_4-.Ltmp1, $4  }
0x60: {  	[sflag:s23] =	ssyncadd.s32 $0xFFFFC000  }
0x61: {  	[spmem:s1] =	stream.indirect.scatter.add.f32 [tilespmem:s22], [sflag:$0x2], $0x80, s21, s21, $0xb8;
	[tilespmem:$0x1A100] =	vst v63  }
0x62: {  	_ =	swait.ge [sflag:s20], $0x4000  }
0x63: {  	s26 =	smov.u32 s30;
	[sflag:s20] =	ssyncset.done $0x0  }
0x64: {  	s26 =	sadd.s32 s25, s18;
	[sflag:s20] =	ssyncadd.s32 $0xFFFFC000  }
0x65: {  	[tilespmem:s3], [sflag:$0x2] =	stream.linear.gather [hbm4b:s26+s3], $0x80, $0x38;
	[tilespmem:$0x1A100] =	vst v63  }
0x66: {  	_ =	swait.ge [sflag:s20], $0x80  }
0x67: {  	[sflag:s20] =	ssyncset.done $0x0  }
0x68: {  	s29 =	sadd.s32 s25, s17;
	[sflag:s20] =	ssyncadd.s32 $0xFFFFFF80  }
0x69: {  	[tilespmem:s21], [sflag:$0x2] =	stream.linear.gather [hbm4b:s29+s3], $0x80, $0x38;
	[tilespmem:$0x1A100] =	vst v63  }
0x6a: {  	_ =	swait.ge [sflag:s20], $0x80  }
0x6b: {  	[sflag:s20] =	ssyncset.done $0x0  }
0x6c: {  	[sflag:s20] =	ssyncadd.s32 $0xFFFFFF80  }
0x6d: {  	[tilespmem:s22], [sflag:$0x1] =	stream.indirect.gather [hbm4b:s4+s21], $0x80, s3, s21, $0xb8;
	[tilespmem:$0x1A100] =	vst v63  }
0x6e: {  	_ =	swait.ge [sflag:s23], $0x4000  }
0x6f: {  	[sflag:s23] =	ssyncset.done $0x0  }
0x70: {  	[sflag:s23] =	ssyncadd.s32 $0xFFFFC000  }
0x71: {  	[spmem:s1] =	stream.indirect.scatter.add.f32 [tilespmem:s22], [sflag:$0x2], $0x80, s21, s21, $0xb8;
	[tilespmem:$0x1A100] =	vst v63  }
0x72: {  	_ =	swait.ge [sflag:s20], $0x4000  }
0x73: {  	s30 =	sshll.u32 s2, $0x6;
	s24 =	sadd.s32 $0x1, s24;
	[sflag:s20] =	ssyncset.done $0x0  }
0x74: {  	s31 =	sshrl.u32 s5, $0x3;
	p0 =	sne.s32 s24, s7;
	[sflag:s20] =	ssyncadd.s32 $0xFFFFC000  }
.Ltmp2:
0x75: {  	s25 =	sor.u32 $0x1C02, s30;
	[bflag:$0x0] =	sbarrier.arrive $0xFFFF;
	(pc) =	sbr.rel @p0 .LBB2_1-.Ltmp2, $4  }
0x76: {  	[hbm:s6], [sflag:s25] =	dma.local [spmem:s31], $0x2800  }
0x77: {  	_ =	swait.ge [sflag:s20], $0x2800  }
0x78: {  	[sflag:s20] =	ssyncset.done $0x0  }
0x79: {  	[sflag:s20] =	ssyncadd.s32 $0xFFFFD800  }
0x7a: {  	_ =	sfence.sel $0x180000  }
0x7b: {  	[bflag:$0x0] =	sbarrier.arrive $0xFFFF  }
0x7c: {  	p0 =	sne.s32 s2, $0x0;
	_ =	strace $0x9000004D  }
0x7d: {  	s0 =	sadd.s32 @!p0 $0x100000, s0;
	[bflag:$0x2] =	sbarrier.arrive $0xFFFF  }
0x7e: {  	[sflag:s0] =	ssyncadd.tile.s32 @!p0 $0x1;
	_ =	shalt  }
.Lfunc_end2:
_tile_overlayer_lowered:
.L_overlay_start_2:
0x7f: {  	(tag) =	ssettag $0x2  }
0x80: {  	s0 =	rddreg [dreg:$0x0];
	s2 =	stileid.u32  }
0x81: {  	s1 =	rddreg [dreg:$0x1];
	p0 =	sne.s32 s2, $0x0  }
0x82: {  	s3 =	rddreg [dreg:$0x2];
	[bflag:$0x3] =	sbarrier.arrive $0xFFFF;
	s2 =	simm.s32 @!p0 $0x1C02  }
0x83: {  	[timem:s3], [sflag:s2] =	dma.local @!p0 [hbm:s0], s1  }
0x84: {  	s0 =	simm.s32 @!p0 $0x2  }
0x85: {  	_ =	swait.ge @!p0 [sflag:s0], s1  }
0x86: {  	s1 =	ssub.s32 @!p0 $0x0, s1;
	[sflag:s0] =	ssyncset.done @!p0 $0x0  }
0x87: {  	[sflag:s0] =	ssyncadd.s32 @!p0 s1  }
0x88: {  	[bflag:$0x3] =	sbarrier.arrive $0xFFFF  }
0x89: {  	_ =	shalt  }

// kernel: kernel.8.cloned.1.call-start
scs
__scs_entry_jumppad:
0x0: {  	(pc) =	sbr.rel $0x88, $3  }
0x1: {  	(tag) =	ssettag $0x0;
	lr =	simm.s32 $0x1  }
0x2: {  	[smem:$0x3F9D] =	sst lr;
	_ =	strace $0xD0000000  }
0x3: {  	_ = 	snop  }
0x4: {  	_ = 	snop  }
0x5: {  	_ = 	snop  }
0x6: {  	_ = 	snop  }
0x7: {  	_ = 	snop  }
__scs_overlays_trampoline_lowered:
0x8: {  	[smem:$0x3FAC] =	sst s0  }
0x9: {  	[smem:$0x3FAD] =	sst s1  }
0xa: {  	[smem:$0x3FAE] =	sst s2  }
0xb: {  	[smem:$0x3FAF] =	sst s3  }
0xc: {  	[smem:$0x3FB0] =	sst s4  }
0xd: {  	[smem:$0x3FB1] =	sst s5  }
0xe: {  	[smem:$0x3FB2] =	sst s6  }
0xf: {  	[smem:$0x3FB3] =	sst s7  }
0x10: {  	[smem:$0x3FB4] =	sst s8  }
0x11: {  	[smem:$0x3FB5] =	sst s9;
	s0 =	simm.s32 @!p0 $0x0  }
0x12: {  	s1 =	sld [smem:$0x3F9B];
	s0 =	simm.s32 @p0 $0x1  }
0x13: {  	[smem:$0x3FB6] =	sst s0;
	s0 =	simm.s32 @!p1 $0x0  }
0x14: {  	s2 =	sld [smem:$0x3F9A];
	s0 =	simm.s32 @p1 $0x1  }
0x15: {  	[smem:$0x3FB7] =	sst s0;
	s0 =	simm.s32 @!p2 $0x0  }
0x16: {  	s3 =	sld [smem:$0x3FDB];
	s0 =	simm.s32 @p2 $0x1  }
0x17: {  	s4 =	simm.s32 $0x1BF5;
	[smem:$0x3FB9] =	sst s0  }
0x18: {  	s0 =	sld [smem:$0x3F9C];
	_ =	swait.ge [sflag:s4], $0x0  }
0x19: {  	s7 =	sld [smem:$0x3F9D]  }
0x1a: {  	s8 =	sadd.s32 $0xFFFFE003, lr  }
0x1b: {  	s9 =	sadd.s32 $0xFFFFFEF7, lr;
	s5 =	simm.s32 $0xFFFFFFFF;
	p2 =	slt.u32 s8, $0xFFFFF086  }
0x1c: {  	p1 =	slt.u32 s9, $0xF7A;
	s5 =	simm.s32 @!p2 $0x0  }
0x1d: {  	s5 =	simm.s32 @p1 $0x1;
	p0 =	seq.s32 s7, s2  }
0x1e: {  	s7 =	smul.u32 @!p0 $0xF7A, s2;
	p2 =	seq.s32 @!p0 s5, $0x0  }
0x1f: {  	s9 =	smul.u32 $0xF7A, s1;
	s8 =	simm.s32 @!p0 $0x1BF5;
	p2 =	por !p2, p0  }
0x20: {  	[sflag:s8] =	ssyncset.s32 @!p0 $0xFFFFF086;
	s6 =	sadd.s32 @!p0 s3, s7;
	s7 =	simm.s32 @!p0 $0x108  }
0x21: {  	s3 =	sadd.s32 s3, s9;
	s6 =	sadd.s32 @!p0 $0x88, s6;
	s7 =	simm.s32 @p2 $0x1082  }
0x22: {  	[simem:s7], [sflag:s8] =	dma.local @!p0 [hbm:s6], $0xF7A  }
0x23: {  	s9 =	sor.u32 $0xD0000000, s2;
	s6 =	simm.s32 $0x108;
	_ =	swait.ge @!p0 [sflag:s8], $0x0  }
0x24: {  	s3 =	sadd.s32 $0x88, s3;
	s6 =	simm.s32 @!p1 $0x1082;
	[sflag:s4] =	ssyncset.s32 $0xFFFFF086  }
0x25: {  	[simem:s6], [sflag:s4] =	dma.local [hbm:s3], $0xF7A  }
0x26: {  	[smem:$0x3F9D] =	sst s1;
	(tag) =	ssettag s2;
	_ =	strace s9  }
0x27: {  	s1 =	sld [smem:$0x3FAD]  }
0x28: {  	s2 =	sld [smem:$0x3FAE]  }
0x29: {  	s4 =	sld [smem:$0x3FB0]  }
0x2a: {  	p0 =	seq.s32 s5, $0x0;
	s5 =	sld [smem:$0x3FB1]  }
0x2b: {  	s6 =	sld [smem:$0x3FB2]  }
0x2c: {  	s7 =	sld [smem:$0x3FB3]  }
0x2d: {  	s3 =	simm.s32 $0x108;
	s8 =	sld [smem:$0x3FB4]  }
0x2e: {  	s3 =	simm.s32 @!p0 $0x1082;
	s9 =	sld [smem:$0x3FB5]  }
0x2f: {  	lr =	sadd.s32 s0, s3;
	s0 =	sld [smem:$0x3FAC]  }
0x30: {  	s3 =	sld [smem:$0x3FAF]  }
0x31: {  	[smem:$0x3FB8] =	sst s10  }
0x32: {  	s10 =	sld [smem:$0x3FB6];
	_ =	sdelay $0x3  }
0x33: {  	p0 =	seq.s32 s10, $0x1;
	s10 =	sld [smem:$0x3FB8];
	_ =	sdelay $0x3  }
0x34: {  	[smem:$0x3FB8] =	sst s10  }
0x35: {  	s10 =	sld [smem:$0x3FB7];
	_ =	sdelay $0x3  }
0x36: {  	p1 =	seq.s32 s10, $0x1;
	s10 =	sld [smem:$0x3FB8];
	_ =	sdelay $0x3  }
0x37: {  	[smem:$0x3FB8] =	sst s10  }
0x38: {  	s10 =	sld [smem:$0x3FB9]  }
0x39: {  	_ = 	snop;
	(pc) =	sbr.ind lr, $3  }
0x3a: {  	_ = 	snop  }
0x3b: {  	_ = 	snop  }
0x3c: {  	p2 =	seq.s32 s10, $0x1;
	s10 =	sld [smem:$0x3FB8]  }
0x3d: {  	_ =	shalt  }
0x3e: {  	_ =	shalt  }
0x3f: {  	_ =	shalt  }
0x40: {  	_ =	shalt  }
0x41: {  	_ =	shalt  }
0x42: {  	_ =	shalt  }
0x43: {  	_ =	shalt  }
0x44: {  	_ =	shalt  }
0x45: {  	_ =	shalt  }
0x46: {  	_ =	shalt  }
0x47: {  	_ =	shalt  }
0x48: {  	_ =	shalt  }
0x49: {  	_ =	shalt  }
0x4a: {  	_ =	shalt  }
0x4b: {  	_ =	shalt  }
0x4c: {  	_ =	shalt  }
0x4d: {  	_ =	shalt  }
0x4e: {  	_ =	shalt  }
0x4f: {  	_ =	shalt  }
0x50: {  	_ =	shalt  }
0x51: {  	_ =	shalt  }
0x52: {  	_ =	shalt  }
0x53: {  	_ =	shalt  }
0x54: {  	_ =	shalt  }
0x55: {  	_ =	shalt  }
0x56: {  	_ =	shalt  }
0x57: {  	_ =	shalt  }
0x58: {  	_ =	shalt  }
0x59: {  	_ =	shalt  }
0x5a: {  	_ =	shalt  }
0x5b: {  	_ =	shalt  }
0x5c: {  	_ =	shalt  }
0x5d: {  	_ =	shalt  }
0x5e: {  	_ =	shalt  }
0x5f: {  	_ =	shalt  }
0x60: {  	_ =	shalt  }
0x61: {  	_ =	shalt  }
0x62: {  	_ =	shalt  }
0x63: {  	_ =	shalt  }
0x64: {  	_ =	shalt  }
0x65: {  	_ =	shalt  }
0x66: {  	_ =	shalt  }
0x67: {  	_ =	shalt  }
0x68: {  	_ =	shalt  }
0x69: {  	_ =	shalt  }
0x6a: {  	_ =	shalt  }
0x6b: {  	_ =	shalt  }
0x6c: {  	_ =	shalt  }
0x6d: {  	_ =	shalt  }
0x6e: {  	_ =	shalt  }
0x6f: {  	_ =	shalt  }
0x70: {  	_ =	shalt  }
0x71: {  	_ =	shalt  }
0x72: {  	_ =	shalt  }
0x73: {  	_ =	shalt  }
0x74: {  	_ =	shalt  }
0x75: {  	_ =	shalt  }
0x76: {  	_ =	shalt  }
0x77: {  	_ =	shalt  }
0x78: {  	_ =	shalt  }
0x79: {  	_ =	shalt  }
0x7a: {  	_ =	shalt  }
0x7b: {  	_ =	shalt  }
0x7c: {  	_ =	shalt  }
0x7d: {  	_ =	shalt  }
0x7e: {  	_ =	shalt  }
0x7f: {  	_ =	shalt  }
0x80: {  	_ =	shalt  }
0x81: {  	_ =	shalt  }
0x82: {  	_ =	shalt  }
0x83: {  	_ =	shalt  }
0x84: {  	_ =	shalt  }
0x85: {  	_ =	shalt  }
0x86: {  	_ =	shalt  }
0x87: {  	_ =	shalt  }
.Lfunc_end0:
.L_simem_size_0:
called_computation_lowered:
.L_overlay_start_0:
0x88: {  	s2 =	sld [smem:$0x3FD9]  }
0x89: {  	s3 =	sld [smem:$0x3FFE];
	_ =	sdelay $0x1  }
0x8a: {  	s1 =	srdreg.scid  }
0x8b: {  	s0 =	sand.u32 $0x1, s1  }
0x8c: {  	s17 =	sshll.u32 s0, $0xA;
	s2 =	sadd.s32 s3, s2  }
0x8d: {  	s2 =	sadd.s32 s2, s17  }
0x8e: {  	[smem:$0x3FC4] =	sst s2  }
0x8f: {  	_ = 	snop  }
0x90: {  	s2 =	sld [smem:$0x3FD0];
	(tm) =	ssettm $0x1  }
0x91: {  	s18 =	sld [smem:$0x3FFB];
	_ =	sdelay $0x3  }
0x92: {  	_ =	strace s18  }
0x93: {  	s3 =	sld [smem:$0x3FFC];
	_ =	sdelay $0x3  }
0x94: {  	_ =	strace s3  }
0x95: {  	s3 =	sld [smem:$0x3FFD];
	_ =	sdelay $0x3  }
0x96: {  	_ =	strace s3  }
0x97: {  	_ =	strace $0x8FFFFFFF  }
0x98: {  	s19 =	sld [smem:$0x3FDB];
	_ =	sdelay $0x1  }
0x99: {  	s4 =	simm.s32 $_scs_section_size  }
0x9a: {  	s5 =	simm.s32 $_size__tile_overlayer_lowered;
	s6 =	simm.s32 $_tile_overlayer_lowered  }
0x9b: {  	s22 =	simm.s32 $0x1BFF;
	s21 =	sshll.u32 s6, $0x1;
	s3 =	sadd.s32 s4, s19  }
0x9c: {  	s7 =	simm.s32 $0x0;
	s20 =	sshll.u32 s5, $0x1;
	s5 =	sadd.s32 s21, s3  }
0x9d: {  	[timem:s7], [sflag:s22] =	dma.local [hbm:s5], s20  }
0x9e: {  	_ =	swait.ge [sflag:s22], s20  }
0x9f: {  	s4 =	ssub.s32 $0x0, s20;
	[sflag:s22] =	ssyncset.done $0x0  }
0xa0: {  	[sflag:s22] =	ssyncadd.s32 s4;
	_ =	sdelay $0x1  }
0xa1: {  	s23 =	simm.s32 $0x1B8B  }
0xa2: {  	_ =	swait.ge [sflag:s23], $0x1  }
0xa3: {  	[sflag:s23] =	ssyncset.done $0x0  }
0xa4: {  	s25 =	simm.s32 $0x1B8E;
	s24 =	sld [smem:$0x3FFE];
	[sflag:s23] =	ssyncadd.s32 $0xFFFFFFFF  }
0xa5: {  	s26 =	simm.s32 $execute0_lowered;
	[smem:$0x3FD2] =	sst s25  }
0xa6: {  	s5 =	sshll.u32 s26, $0x1;
	_ =	strace $0x80000046;
	[dreg:$0x1] =	wrdreg $0xFFFFFFFF  }
0xa7: {  	s28 =	simm.s32 $_size_execute0_lowered;
	s3 =	sadd.s32 s3, s5;
	[dreg:$0x0] =	wrdreg $0x0  }
0xa8: {  	s5 =	sshll.u32 s28, $0x1;
	[dreg:$0x2] =	wrdreg s3  }
0xa9: {  	[dreg:$0x3] =	wrdreg s5  }
0xaa: {  	[dreg:$0x4] =	wrdreg $0xC0  }
0xab: {  	_ =	task [dreg:s7], $0x5FFFF  }
0xac: {  	[dreg:$0x1] =	wrdreg $0xFFFFFFFF  }
0xad: {  	[dreg:$0x0] =	wrdreg $0x60  }
0xae: {  	[dreg:$0x2] =	wrdreg s24  }
0xaf: {  	[dreg:$0x3] =	wrdreg s2  }
0xb0: {  	[dreg:$0x4] =	wrdreg $0x9  }
0xb1: {  	_ =	task.clear_ibuf [dreg:s7], $0x5FFFF;
	_ =	strace $0x90000046  }
0xb2: {  	s29 =	simm.s32 $0x9;
	_ =	strace $0x80000048  }
0xb3: {  	_ =	swait.ge [sflag:s29], $0x1  }
0xb4: {  	[sflag:s29] =	ssyncadd.s32 $0xFFFFFFFF  }
0xb5: {  	_ =	strace $0x90000048  }
0xb6: {  	_ =	sfence  }
0xb7: {  	s30 =	sld [smem:$0x0];
	_ =	sdelay $0x2  }
0xb8: {  	s31 =	sshll.u32 s1, $0xD;
	s1 =	sshrl.u32 s1, $0x2  }
0xb9: {  	s3 =	sand.u32 $0x4000, s31;
	s1 =	sadd.s32 s1, s30  }
0xba: {  	s0 =	sor.u32 s3, s0;
	s1 =	sshll.u32 s1, $0x11  }
0xbb: {  	s0 =	sor.u32 s1, s0  }
0xbc: {  	s0 =	sadd.s32 $0x8F2B, s0  }
0xbd: {  	[sflag:s0] =	ssyncadd.remote.s32 $0x1  }
0xbe: {  	_ =	sfence.sel $0xFFFF  }
0xbf: {  	[dreg:$0x0] =	wrdreg $0xFFFFFFFF;
	(pc) =	sbr.abs _section_cstart, $3  }
0xc0: {  	[dreg:$0x1] =	wrdreg $0xFFFFFFFF  }
0xc1: {  	_ =	task.clear_ibuf [dreg:s7], $0x2FFFF;
	_ =	strace $0x9FFFFFFF  }
0xc2: {  	(tm) =	ssettm $0x7FFFFFFF  }
0xc3: {  	_ =	shalt  }
tec
execute0_lowered:
.L_overlay_start_1:
0x0: {  	(tag) =	ssettag $0x1  }
0x1: {  	s0 =	srdreg.scid;
	s3 =	rddreg [dreg:$0x0]  }
0x2: {  	s5 =	rddreg [dreg:$0x1];
	s1 =	stileid.u32;
	s9 =	simm.s32 $0x4F00  }
0x3: {  	s10 =	simm.s32 $0x80;
	s11 =	simm.s32 $0x400;
	s4 =	sand.u32 $0x1, s0  }
0x4: {  	s12 =	simm.s32 $0x0;
	s0 =	rddreg [dreg:$0x2];
	s2 =	sshll.u32 s4, $0x4  }
0x5: {  	s8 =	sshll.u32 s1, $0x7;
	s4 =	ssub.s32 $0x2, s4;
	s6 =	sor.u32 s1, s2  }
0x6: {  	s8 =	sand.u32 $0x380, s8;
	s7 =	smul.u32 $0x4F0, s6;
	s6 =	sshrl.u32 s6, $0x3  }
0x7: {  	s2 =	simm.s32 $0x0;
	s30 =	sshrl.u32 s4, $0x1;
	s6 =	smul.u32 $0x14000, s6  }
0x8: {  	[smem:$0x7FF] =	sst s2;
	s31 =	ssub.s32 s4, s30;
	s7 =	sadd.s32 s7, s3  }
0x9: {  	_ =	strace $0x80000047;
	s6 =	sor.u32 s8, s6;
	s3 =	sadd.s32 $0xC000, s7  }
0xa: {  	s4 =	sadd.s32 $0x2200, s7;
	s7 =	simm.s32 $0x1;
	s6 =	sshrl.u32 s6, $0x3  }
0xb: {  	v0 =	vimm.f32 $0.0e+00;
	v1 =	vimm.f32 $1.000000000e+00;
	s8 =	simm.s32 $0x2780;
	s5 =	sadd.s32 s5, s6;
	s6 =	smax.u32 s31, $0x1  }
.LBB2_1:
0xc: {  	[tilespmem:s2], [sflag:$0x1] =	stream.linear.gather [hbm4b:s3+s2], $0x2780, $0x38;
	[tilespmem:$0x7700] =	vst v63  }
0xd: {  	_ =	swait.ge [sflag:s7], $0x2780  }
0xe: {  	[sflag:s7] =	ssyncset.done $0x0  }
0xf: {  	[sflag:s7] =	ssyncadd.s32 $0xFFFFD880  }
0x10: {  	[tilespmem:s8], [sflag:$0x1] =	stream.linear.gather [hbm4b:s4+s2], $0x2780, $0x38;
	[tilespmem:$0x7700] =	vst v63  }
0x11: {  	_ =	swait.ge [sflag:s7], $0x2780  }
0x12: {  	[sflag:s7] =	ssyncset.done $0x0  }
0x13: {  	s13 =	simm.s32 $0x0;
	[sflag:s7] =	ssyncadd.s32 $0xFFFFD880  }
.LBB2_2:
0x14: {  	p0 =	sne.s32 s13, $0x9FC0  }
.Ltmp0:
0x15: {  	_ = 	snop;
	(pc) =	sbr.rel @p0 .LBB2_2-.Ltmp0, $3  }
0x16: {  	_ =	sdelay $0x1  }
0x17: {  	s14 =	sshra.s32 s13, $0x2  }
0x18: {  	s13 =	sadd.s32 $0x40, s13;
	[tilespmem:s14+$0x4F00] =	vst v0  }
0x19: {  	s14 =	simm.s32 $0x0;
	s13 =	simm.s32 $0x40  }
.LBB2_4:
0x1a: {  	p0 =	sne.s32 s13, $0x9DC0;
	v2 =	vld [tilespmem:s14+$0x2780]  }
0x1b: {  	v3 =	vld [tilespmem:s14+$0x0];
	_ =	sdelay $0x2  }
.Ltmp1:
0x1c: {  	(pc) =	sbr.rel @p0 .LBB2_4-.Ltmp1, $4  }
0x1d: {  	_ = 	snop  }
0x1e: {  	vm0 =	veq.s32 v3, $0x2710  }
0x1f: {  	v3 =	vsel vm0, $0x0, v1  }
0x20: {  	s14 =	sshra.s32 s13, $0x2;
	s13 =	sadd.s32 $0x40, s13;
	[tilespmem:v2+s9+$0x0] =	vst.idx.add.f32.msk $0xffff, v3  }
0x21: {  	v2 =	vld [tilespmem:s14+$0x2780]  }
0x22: {  	v3 =	vld [tilespmem:s14+$0x0];
	_ =	sdelay $0x4  }
0x23: {  	s12 =	sadd.s32 $0x1, s12;
	vm0 =	veq.s32 v3, $0x2710  }
0x24: {  	p0 =	sne.s32 s12, s6;
	v3 =	vsel vm0, $0x0, v1  }
.Ltmp2:
0x25: {  	[tilespmem:v2+s9+$0x0] =	vst.idx.add.f32.msk $0xffff, v3;
	(pc) =	sbr.rel @p0 .LBB2_1-.Ltmp2, $4  }
0x26: {  	[hbm4b:s5+s10] =	stream.strided.scatter [tilespmem:s9], [sflag:$0x1], $0x2800, s11, s10, $0x38;
	[tilespmem:$0x7700] =	vst v63  }
0x27: {  	_ =	swait.ge [sflag:s7], $0x2800  }
0x28: {  	[sflag:s7] =	ssyncset.done $0x0  }
0x29: {  	[sflag:s7] =	ssyncadd.s32 $0xFFFFD800  }
0x2a: {  	_ =	sfence.sel $0x180000  }
0x2b: {  	[bflag:$0x0] =	sbarrier.arrive $0xFFFF  }
0x2c: {  	p0 =	sne.s32 s1, $0x0;
	_ =	strace $0x90000047  }
0x2d: {  	s0 =	sadd.s32 @!p0 $0x100000, s0;
	[bflag:$0x2] =	sbarrier.arrive $0xFFFF  }
0x2e: {  	[sflag:s0] =	ssyncadd.tile.s32 @!p0 $0x1;
	_ =	shalt  }
.Lfunc_end2:
_tile_overlayer_lowered:
.L_overlay_start_2:
0x2f: {  	(tag) =	ssettag $0x2  }
0x30: {  	s0 =	rddreg [dreg:$0x0];
	s2 =	stileid.u32  }
0x31: {  	s1 =	rddreg [dreg:$0x1];
	p0 =	sne.s32 s2, $0x0  }
0x32: {  	s3 =	rddreg [dreg:$0x2];
	[bflag:$0x3] =	sbarrier.arrive $0xFFFF;
	s2 =	simm.s32 @!p0 $0x1C01  }
0x33: {  	[timem:s3], [sflag:s2] =	dma.local @!p0 [hbm:s0], s1  }
0x34: {  	s0 =	simm.s32 @!p0 $0x1  }
0x35: {  	_ =	swait.ge @!p0 [sflag:s0], s1  }
0x36: {  	s1 =	ssub.s32 @!p0 $0x0, s1;
	[sflag:s0] =	ssyncset.done @!p0 $0x0  }
0x37: {  	[sflag:s0] =	ssyncadd.s32 @!p0 s1  }
0x38: {  	[bflag:$0x3] =	sbarrier.arrive $0xFFFF  }
0x39: {  	_ =	shalt  }

</sc_bundles>
